<compile_context>
chip_gen: v7x
topology: tpu7x:2x2x1
jax: 0.10.2.dev20260603
libtpu: 0.0.44.dev20260713+nightly
codegen_flags: <defaults>
</compile_context>

<pallas_src>
import functools

import jax
import jax.numpy as jnp
from jax import lax
from jax.experimental import pallas as pl
from jax.experimental.pallas import tpu as pltpu
from jax.experimental.pallas import tpu_sc as plsc

_NUM_CORES = 2
_NUM_SUBCORES = 16
_NW = _NUM_CORES * _NUM_SUBCORES
_LANES = 128
_GRP = 16


def _make(B, D, V, b_per_w):
    mesh = plsc.VectorSubcoreMesh(core_axis_name="c", subcore_axis_name="s")
    n_grp = b_per_w // _GRP
    tail = V - _LANES
    main_lim = (V // _LANES) * _LANES
    c_max = V // _LANES - 1

    @functools.partial(
        pl.kernel,
        mesh=mesh,
        out_type=jax.ShapeDtypeStruct((D, B), jnp.float32),
        scratch_types=[
            pltpu.VMEM((b_per_w,), jnp.int32),
            pltpu.VMEM((D, b_per_w), jnp.float32),
            pltpu.VMEM((_GRP, D, _LANES), jnp.float32),
            pltpu.VMEM((D, _LANES), jnp.float32),
            [pltpu.SemaphoreType.DMA] * _GRP,
        ],
        compiler_params=pltpu.CompilerParams(
            use_tc_tiling_on_sc=True, needs_layout_passes=False
        ),
    )
    def k(idx_hbm, tab_hbm, aux_hbm, out_hbm, idx_v, cols_v, bufs_v, aux_v,
          sems):
        wid = lax.axis_index("s") * _NUM_CORES + lax.axis_index("c")
        base = wid * b_per_w
        pltpu.sync_copy(idx_hbm.at[pl.ds(base, b_per_w)], idx_v)
        pltpu.sync_copy(aux_hbm, aux_v)

        row_ids = lax.iota(jnp.int32, 16)

        def body(g, carry):
            v = idx_v[pl.ds(g * _GRP, _GRP)]
            c_vec = jnp.minimum(v >> 7, c_max)
            il_vec = v & (_LANES - 1)
            it_vec = jnp.maximum(v - tail, 0)
            for s in range(_GRP):
                pltpu.async_copy(
                    tab_hbm.at[:, pl.ds(c_vec[s] * _LANES, _LANES)],
                    bufs_v.at[s],
                    sems[s],
                )
            for s in range(_GRP):
                pltpu.make_async_copy(
                    tab_hbm.at[:, pl.ds(0, _LANES)],
                    bufs_v.at[s],
                    sems[s],
                ).wait()
                il = jnp.full((16,), il_vec[s], jnp.int32)
                col_main = plsc.load_gather(bufs_v.at[s], [row_ids, il])
                it = jnp.full((16,), it_vec[s], jnp.int32)
                col_tail = plsc.load_gather(aux_v, [row_ids, it])
                col = jnp.where(
                    jnp.full((16,), v[s], jnp.int32) < main_lim,
                    col_main,
                    col_tail,
                )
                plsc.store_scatter(
                    cols_v,
                    [row_ids, jnp.full((16,), g * _GRP + s, jnp.int32)],
                    col,
                )
            return carry

        lax.fori_loop(0, n_grp, body, 0)
        pltpu.sync_copy(cols_v, out_hbm.at[:, pl.ds(base, b_per_w)])

    return k


def kernel(t, table):
    B = t.shape[0]
    V, D = table.shape
    b_per_w = B // _NW
    idx = t.astype(jnp.int32)
    aux = table[V - _LANES:, :].T
    out_t = _make(B, D, V, b_per_w)(idx, table.T, aux)
    return out_t.T

# --- scband reference (transcript-rebuilt; emitter-appended) ---
"""Pipeline reference for scband-time-embedding-33801392619957 (READ-ONLY COPY).

The authoritative reference and input builder live on the scoring server;
editing this copy changes nothing except your own understanding.
"""

import jax, jax.numpy as jnp
import numpy as np

T = 1000000
DIM = 16
BATCH = 16384

def setup_inputs(seed: int = 0) -> dict:
    key = jax.random.key(seed)
    k_t, k_w = jax.random.split(key)
    t = jax.random.randint(k_t, (BATCH,), 0, T, dtype=jnp.int64 if jax.config.jax_enable_x64 else jnp.int32)
    table = jax.random.normal(k_w, (T, DIM), dtype=jnp.float32)
    return {"t": t, "table": table}

def reference(t, table):
    # nn.Embedding forward: gather rows of the table by index
    return jnp.take(table, t, axis=0)

if __name__ == "__main__":
    import jax
    _d = setup_inputs()
    print(jax.jit(kernel)(*tuple(_d.values())))

</pallas_src>

<mosaic_0001>
#map = affine_map<(d0, d1) -> (0)>
#map1 = affine_map<(d0, d1) -> (0, 0)>
module attributes {stable_mosaic.version = 14 : i64} {
  func.func @k(%arg0: i32, %arg1: i32, %arg2: memref<16384xi32, #tpu.memory_space<hbm>>, %arg3: memref<16x1000000xf32, #tpu.memory_space<hbm>>, %arg4: memref<16x128xf32, #tpu.memory_space<hbm>>, %arg5: memref<16x16384xf32, #tpu.memory_space<hbm>>, %arg6: memref<512xi32, #tpu.memory_space<vmem>>, %arg7: memref<16x512xf32, #tpu.memory_space<vmem>>, %arg8: memref<16x16x128xf32, #tpu.memory_space<vmem>>, %arg9: memref<16x128xf32, #tpu.memory_space<vmem>>, %arg10: memref<!tpu.dma_semaphore, #tpu.memory_space<semaphore_mem>>, %arg11: memref<!tpu.dma_semaphore, #tpu.memory_space<semaphore_mem>>, %arg12: memref<!tpu.dma_semaphore, #tpu.memory_space<semaphore_mem>>, %arg13: memref<!tpu.dma_semaphore, #tpu.memory_space<semaphore_mem>>, %arg14: memref<!tpu.dma_semaphore, #tpu.memory_space<semaphore_mem>>, %arg15: memref<!tpu.dma_semaphore, #tpu.memory_space<semaphore_mem>>, %arg16: memref<!tpu.dma_semaphore, #tpu.memory_space<semaphore_mem>>, %arg17: memref<!tpu.dma_semaphore, #tpu.memory_space<semaphore_mem>>, %arg18: memref<!tpu.dma_semaphore, #tpu.memory_space<semaphore_mem>>, %arg19: memref<!tpu.dma_semaphore, #tpu.memory_space<semaphore_mem>>, %arg20: memref<!tpu.dma_semaphore, #tpu.memory_space<semaphore_mem>>, %arg21: memref<!tpu.dma_semaphore, #tpu.memory_space<semaphore_mem>>, %arg22: memref<!tpu.dma_semaphore, #tpu.memory_space<semaphore_mem>>, %arg23: memref<!tpu.dma_semaphore, #tpu.memory_space<semaphore_mem>>, %arg24: memref<!tpu.dma_semaphore, #tpu.memory_space<semaphore_mem>>, %arg25: memref<!tpu.dma_semaphore, #tpu.memory_space<semaphore_mem>>) attributes {dimension_semantics = [#tpu.dimension_semantics<core_parallel>, #tpu.dimension_semantics<subcore_parallel>], iteration_bounds = array<i64: 2, 16>, scalar_prefetch = 0 : i64, scratch_operands = 20 : i64, tpu.core_type = #tpu.core_type<sc_vector_subcore>, window_params = [{transform_indices = #map}, {transform_indices = #map1}, {transform_indices = #map1}, {transform_indices = #map1}]} {
    %mul3A = arith.constant 2 : i32
    %mul3A_0 = arith.muli %arg1, %mul3A : i32
    %add3A = arith.addi %mul3A_0, %arg0 : i32
    %mul3A_1 = arith.constant 512 : i32
    %mul3A_2 = arith.muli %add3A, %mul3A_1 : i32
    "tpu.region"() ({
      %run_scoped3A = tpu.sem_alloc : memref<!tpu.dma_semaphore, #tpu.memory_space<semaphore_mem>>
      %dma_start3A = tpu.memref_slice %arg2[%mul3A_2] : memref<16384xi32, #tpu.memory_space<hbm>> -> memref<512xi32, #tpu.memory_space<hbm>>
      %dma_start3A_8 = tpu.memref_slice %arg2[%mul3A_2] : memref<16384xi32, #tpu.memory_space<hbm>> -> memref<512xi32, #tpu.memory_space<hbm>>
      tpu.enqueue_dma source(%dma_start3A_8 : memref<512xi32, #tpu.memory_space<hbm>>) target(%arg6 : memref<512xi32, #tpu.memory_space<vmem>>) target_semaphore(%run_scoped3A : memref<!tpu.dma_semaphore, #tpu.memory_space<semaphore_mem>>)
      %dma_wait3A = tpu.memref_slice %arg2[%mul3A_2] : memref<16384xi32, #tpu.memory_space<hbm>> -> memref<512xi32, #tpu.memory_space<hbm>>
      %dma_wait3A_9 = tpu.memref_slice %arg2[%mul3A_2] : memref<16384xi32, #tpu.memory_space<hbm>> -> memref<512xi32, #tpu.memory_space<hbm>>
      tpu.wait_dma2 semaphore(%run_scoped3A : memref<!tpu.dma_semaphore, #tpu.memory_space<semaphore_mem>>) src(%dma_wait3A_9 : memref<512xi32, #tpu.memory_space<hbm>>) dst(%arg6 : memref<512xi32, #tpu.memory_space<vmem>>)
      tpu.yield
    }) : () -> ()
    "tpu.region"() ({
      %run_scoped3A = tpu.sem_alloc : memref<!tpu.dma_semaphore, #tpu.memory_space<semaphore_mem>>
      tpu.enqueue_dma source(%arg4 : memref<16x128xf32, #tpu.memory_space<hbm>>) target(%arg9 : memref<16x128xf32, #tpu.memory_space<vmem>>) target_semaphore(%run_scoped3A : memref<!tpu.dma_semaphore, #tpu.memory_space<semaphore_mem>>)
      tpu.wait_dma2 semaphore(%run_scoped3A : memref<!tpu.dma_semaphore, #tpu.memory_space<semaphore_mem>>) src(%arg4 : memref<16x128xf32, #tpu.memory_space<hbm>>) dst(%arg9 : memref<16x128xf32, #tpu.memory_space<vmem>>)
      tpu.yield
    }) : () -> ()
    %iota3A = tpu.iota {dimensions = array<i32: 0>} : vector<16xi32>
    %scan3A = arith.constant 0 : i32
    %scan3A_3 = arith.constant 0 : i32
    %scan3A_4 = arith.constant 32 : i32
    %scan3A_5 = arith.addi %scan3A_3, %scan3A_4 : i32
    %scan3A_6 = arith.constant 1 : i32
    scf.for %scan3A_8 = %scan3A_3 to %scan3A_5 step %scan3A_6  : i32 {
      %mul3A_9 = arith.constant 16 : i32
      %mul3A_10 = arith.muli %scan3A_8, %mul3A_9 : i32
      %get3A = arith.index_cast %mul3A_10 : i32 to index
      %get3A_11 = tpu.vector_load %arg6[%get3A] {strides = array<i32>} : memref<512xi32, #tpu.memory_space<vmem>>, vector<16xi32>,
      %shift_right_arithmetic3A = arith.constant 7 : i32
      %shift_right_arithmetic3A_12 = vector.broadcast %shift_right_arithmetic3A : i32 to vector<16xi32>
      %shift_right_arithmetic3A_13 = arith.shrsi %get3A_11, %shift_right_arithmetic3A_12 : vector<16xi32>
      %min3A = arith.constant 7811 : i32
      %min3A_14 = vector.broadcast %min3A : i32 to vector<16xi32>
      %min3A_15 = arith.minsi %shift_right_arithmetic3A_13, %min3A_14 : vector<16xi32>
      %and3A = arith.constant 127 : i32
      %and3A_16 = vector.broadcast %and3A : i32 to vector<16xi32>
      %and3A_17 = arith.andi %get3A_11, %and3A_16 : vector<16xi32>
      %sub3A = arith.constant 999872 : i32
      %sub3A_18 = vector.broadcast %sub3A : i32 to vector<16xi32>
      %sub3A_19 = arith.subi %get3A_11, %sub3A_18 : vector<16xi32>
      %max3A = arith.constant 0 : i32
      %max3A_20 = vector.broadcast %max3A : i32 to vector<16xi32>
      %max3A_21 = arith.maxsi %sub3A_19, %max3A_20 : vector<16xi32>
      %slice3A = vector.extract_strided_slice %min3A_15 {offsets = [0], sizes = [1], strides = [1]} : vector<16xi32> to vector<1xi32>
      %squeeze3A = vector.extract %slice3A[0] : i32 from vector<1xi32>
      %mul3A_22 = arith.constant 128 : i32
      %mul3A_23 = arith.muli %squeeze3A, %mul3A_22 : i32
      %dma_start3A = arith.constant 0 : i32
      %dma_start3A_24 = arith.constant 0 : i32
      %dma_start3A_25 = arith.constant 0 : i32
      %dma_start3A_26 = tpu.memref_slice %arg8[%dma_start3A, %dma_start3A_24, %dma_start3A_25] : memref<16x16x128xf32, #tpu.memory_space<vmem>> -> memref<1x16x128xf32, #tpu.memory_space<vmem>>
      %dma_start3A_27 = tpu.memref_squeeze %dma_start3A_26 : memref<1x16x128xf32, #tpu.memory_space<vmem>> -> memref<16x128xf32, #tpu.memory_space<vmem>>
      %dma_start3A_28 = arith.constant 0 : i32
      %dma_start3A_29 = tpu.memref_slice %arg3[%dma_start3A_28, %mul3A_23] : memref<16x1000000xf32, #tpu.memory_space<hbm>> -> memref<16x128xf32, #tpu.memory_space<hbm>>
      %dma_start3A_30 = arith.constant 0 : i32
      %dma_start3A_31 = arith.constant 0 : i32
      %dma_start3A_32 = tpu.memref_slice %arg8[%dma_start3A, %dma_start3A_30, %dma_start3A_31] : memref<16x16x128xf32, #tpu.memory_space<vmem>> -> memref<1x16x128xf32, #tpu.memory_space<vmem>>
      %dma_start3A_33 = tpu.memref_squeeze %dma_start3A_32 : memref<1x16x128xf32, #tpu.memory_space<vmem>> -> memref<16x128xf32, #tpu.memory_space<vmem>>
      %dma_start3A_34 = arith.constant 0 : i32
      %dma_start3A_35 = tpu.memref_slice %arg3[%dma_start3A_34, %mul3A_23] : memref<16x1000000xf32, #tpu.memory_space<hbm>> -> memref<16x128xf32, #tpu.memory_space<hbm>>
      tpu.enqueue_dma source(%dma_start3A_35 : memref<16x128xf32, #tpu.memory_space<hbm>>) target(%dma_start3A_33 : memref<16x128xf32, #tpu.memory_space<vmem>>) target_semaphore(%arg10 : memref<!tpu.dma_semaphore, #tpu.memory_space<semaphore_mem>>)
      %slice3A_36 = vector.extract_strided_slice %min3A_15 {offsets = [1], sizes = [1], strides = [1]} : vector<16xi32> to vector<1xi32>
      %squeeze3A_37 = vector.extract %slice3A_36[0] : i32 from vector<1xi32>
      %mul3A_38 = arith.constant 128 : i32
      %mul3A_39 = arith.muli %squeeze3A_37, %mul3A_38 : i32
      %dma_start3A_40 = arith.constant 1 : i32
      %dma_start3A_41 = arith.constant 0 : i32
      %dma_start3A_42 = arith.constant 0 : i32
      %dma_start3A_43 = tpu.memref_slice %arg8[%dma_start3A_40, %dma_start3A_41, %dma_start3A_42] : memref<16x16x128xf32, #tpu.memory_space<vmem>> -> memref<1x16x128xf32, #tpu.memory_space<vmem>>
      %dma_start3A_44 = tpu.memref_squeeze %dma_start3A_43 : memref<1x16x128xf32, #tpu.memory_space<vmem>> -> memref<16x128xf32, #tpu.memory_space<vmem>>
      %dma_start3A_45 = arith.constant 0 : i32
      %dma_start3A_46 = tpu.memref_slice %arg3[%dma_start3A_45, %mul3A_39] : memref<16x1000000xf32, #tpu.memory_space<hbm>> -> memref<16x128xf32, #tpu.memory_space<hbm>>
      %dma_start3A_47 = arith.constant 0 : i32
      %dma_start3A_48 = arith.constant 0 : i32
      %dma_start3A_49 = tpu.memref_slice %arg8[%dma_start3A_40, %dma_start3A_47, %dma_start3A_48] : memref<16x16x128xf32, #tpu.memory_space<vmem>> -> memref<1x16x128xf32, #tpu.memory_space<vmem>>
      %dma_start3A_50 = tpu.memref_squeeze %dma_start3A_49 : memref<1x16x128xf32, #tpu.memory_space<vmem>> -> memref<16x128xf32, #tpu.memory_space<vmem>>
      %dma_start3A_51 = arith.constant 0 : i32
      %dma_start3A_52 = tpu.memref_slice %arg3[%dma_start3A_51, %mul3A_39] : memref<16x1000000xf32, #tpu.memory_space<hbm>> -> memref<16x128xf32, #tpu.memory_space<hbm>>
      tpu.enqueue_dma source(%dma_start3A_52 : memref<16x128xf32, #tpu.memory_space<hbm>>) target(%dma_start3A_50 : memref<16x128xf32, #tpu.memory_space<vmem>>) target_semaphore(%arg11 : memref<!tpu.dma_semaphore, #tpu.memory_space<semaphore_mem>>)
      %slice3A_53 = vector.extract_strided_slice %min3A_15 {offsets = [2], sizes = [1], strides = [1]} : vector<16xi32> to vector<1xi32>
      %squeeze3A_54 = vector.extract %slice3A_53[0] : i32 from vector<1xi32>
      %mul3A_55 = arith.constant 128 : i32
      %mul3A_56 = arith.muli %squeeze3A_54, %mul3A_55 : i32
      %dma_start3A_57 = arith.constant 2 : i32
      %dma_start3A_58 = arith.constant 0 : i32
      %dma_start3A_59 = arith.constant 0 : i32
      %dma_start3A_60 = tpu.memref_slice %arg8[%dma_start3A_57, %dma_start3A_58, %dma_start3A_59] : memref<16x16x128xf32, #tpu.memory_space<vmem>> -> memref<1x16x128xf32, #tpu.memory_space<vmem>>
      %dma_start3A_61 = tpu.memref_squeeze %dma_start3A_60 : memref<1x16x128xf32, #tpu.memory_space<vmem>> -> memref<16x128xf32, #tpu.memory_space<vmem>>
      %dma_start3A_62 = arith.constant 0 : i32
      %dma_start3A_63 = tpu.memref_slice %arg3[%dma_start3A_62, %mul3A_56] : memref<16x1000000xf32, #tpu.memory_space<hbm>> -> memref<16x128xf32, #tpu.memory_space<hbm>>
      %dma_start3A_64 = arith.constant 0 : i32
      %dma_start3A_65 = arith.constant 0 : i32
      %dma_start3A_66 = tpu.memref_slice %arg8[%dma_start3A_57, %dma_start3A_64, %dma_start3A_65] : memref<16x16x128xf32, #tpu.memory_space<vmem>> -> memref<1x16x128xf32, #tpu.memory_space<vmem>>
      %dma_start3A_67 = tpu.memref_squeeze %dma_start3A_66 : memref<1x16x128xf32, #tpu.memory_space<vmem>> -> memref<16x128xf32, #tpu.memory_space<vmem>>
      %dma_start3A_68 = arith.constant 0 : i32
      %dma_start3A_69 = tpu.memref_slice %arg3[%dma_start3A_68, %mul3A_56] : memref<16x1000000xf32, #tpu.memory_space<hbm>> -> memref<16x128xf32, #tpu.memory_space<hbm>>
      tpu.enqueue_dma source(%dma_start3A_69 : memref<16x128xf32, #tpu.memory_space<hbm>>) target(%dma_start3A_67 : memref<16x128xf32, #tpu.memory_space<vmem>>) target_semaphore(%arg12 : memref<!tpu.dma_semaphore, #tpu.memory_space<semaphore_mem>>)
      %slice3A_70 = vector.extract_strided_slice %min3A_15 {offsets = [3], sizes = [1], strides = [1]} : vector<16xi32> to vector<1xi32>
      %squeeze3A_71 = vector.extract %slice3A_70[0] : i32 from vector<1xi32>
      %mul3A_72 = arith.constant 128 : i32
      %mul3A_73 = arith.muli %squeeze3A_71, %mul3A_72 : i32
      %dma_start3A_74 = arith.constant 3 : i32
      %dma_start3A_75 = arith.constant 0 : i32
      %dma_start3A_76 = arith.constant 0 : i32
      %dma_start3A_77 = tpu.memref_slice %arg8[%dma_start3A_74, %dma_start3A_75, %dma_start3A_76] : memref<16x16x128xf32, #tpu.memory_space<vmem>> -> memref<1x16x128xf32, #tpu.memory_space<vmem>>
      %dma_start3A_78 = tpu.memref_squeeze %dma_start3A_77 : memref<1x16x128xf32, #tpu.memory_space<vmem>> -> memref<16x128xf32, #tpu.memory_space<vmem>>
      %dma_start3A_79 = arith.constant 0 : i32
      %dma_start3A_80 = tpu.memref_slice %arg3[%dma_start3A_79, %mul3A_73] : memref<16x1000000xf32, #tpu.memory_space<hbm>> -> memref<16x128xf32, #tpu.memory_space<hbm>>
      %dma_start3A_81 = arith.constant 0 : i32
      %dma_start3A_82 = arith.constant 0 : i32
      %dma_start3A_83 = tpu.memref_slice %arg8[%dma_start3A_74, %dma_start3A_81, %dma_start3A_82] : memref<16x16x128xf32, #tpu.memory_space<vmem>> -> memref<1x16x128xf32, #tpu.memory_space<vmem>>
      %dma_start3A_84 = tpu.memref_squeeze %dma_start3A_83 : memref<1x16x128xf32, #tpu.memory_space<vmem>> -> memref<16x128xf32, #tpu.memory_space<vmem>>
      %dma_start3A_85 = arith.constant 0 : i32
      %dma_start3A_86 = tpu.memref_slice %arg3[%dma_start3A_85, %mul3A_73] : memref<16x1000000xf32, #tpu.memory_space<hbm>> -> memref<16x128xf32, #tpu.memory_space<hbm>>
      tpu.enqueue_dma source(%dma_start3A_86 : memref<16x128xf32, #tpu.memory_space<hbm>>) target(%dma_start3A_84 : memref<16x128xf32, #tpu.memory_space<vmem>>) target_semaphore(%arg13 : memref<!tpu.dma_semaphore, #tpu.memory_space<semaphore_mem>>)
      %slice3A_87 = vector.extract_strided_slice %min3A_15 {offsets = [4], sizes = [1], strides = [1]} : vector<16xi32> to vector<1xi32>
      %squeeze3A_88 = vector.extract %slice3A_87[0] : i32 from vector<1xi32>
      %mul3A_89 = arith.constant 128 : i32
      %mul3A_90 = arith.muli %squeeze3A_88, %mul3A_89 : i32
      %dma_start3A_91 = arith.constant 4 : i32
      %dma_start3A_92 = arith.constant 0 : i32
      %dma_start3A_93 = arith.constant 0 : i32
      %dma_start3A_94 = tpu.memref_slice %arg8[%dma_start3A_91, %dma_start3A_92, %dma_start3A_93] : memref<16x16x128xf32, #tpu.memory_space<vmem>> -> memref<1x16x128xf32, #tpu.memory_space<vmem>>
      %dma_start3A_95 = tpu.memref_squeeze %dma_start3A_94 : memref<1x16x128xf32, #tpu.memory_space<vmem>> -> memref<16x128xf32, #tpu.memory_space<vmem>>
      %dma_start3A_96 = arith.constant 0 : i32
      %dma_start3A_97 = tpu.memref_slice %arg3[%dma_start3A_96, %mul3A_90] : memref<16x1000000xf32, #tpu.memory_space<hbm>> -> memref<16x128xf32, #tpu.memory_space<hbm>>
      %dma_start3A_98 = arith.constant 0 : i32
      %dma_start3A_99 = arith.constant 0 : i32
      %dma_start3A_100 = tpu.memref_slice %arg8[%dma_start3A_91, %dma_start3A_98, %dma_start3A_99] : memref<16x16x128xf32, #tpu.memory_space<vmem>> -> memref<1x16x128xf32, #tpu.memory_space<vmem>>
      %dma_start3A_101 = tpu.memref_squeeze %dma_start3A_100 : memref<1x16x128xf32, #tpu.memory_space<vmem>> -> memref<16x128xf32, #tpu.memory_space<vmem>>
      %dma_start3A_102 = arith.constant 0 : i32
      %dma_start3A_103 = tpu.memref_slice %arg3[%dma_start3A_102, %mul3A_90] : memref<16x1000000xf32, #tpu.memory_space<hbm>> -> memref<16x128xf32, #tpu.memory_space<hbm>>
      tpu.enqueue_dma source(%dma_start3A_103 : memref<16x128xf32, #tpu.memory_space<hbm>>) target(%dma_start3A_101 : memref<16x128xf32, #tpu.memory_space<vmem>>) target_semaphore(%arg14 : memref<!tpu.dma_semaphore, #tpu.memory_space<semaphore_mem>>)
      %slice3A_104 = vector.extract_strided_slice %min3A_15 {offsets = [5], sizes = [1], strides = [1]} : vector<16xi32> to vector<1xi32>
      %squeeze3A_105 = vector.extract %slice3A_104[0] : i32 from vector<1xi32>
      %mul3A_106 = arith.constant 128 : i32
      %mul3A_107 = arith.muli %squeeze3A_105, %mul3A_106 : i32
      %dma_start3A_108 = arith.constant 5 : i32
      %dma_start3A_109 = arith.constant 0 : i32
      %dma_start3A_110 = arith.constant 0 : i32
      %dma_start3A_111 = tpu.memref_slice %arg8[%dma_start3A_108, %dma_start3A_109, %dma_start3A_110] : memref<16x16x128xf32, #tpu.memory_space<vmem>> -> memref<1x16x128xf32, #tpu.memory_space<vmem>>
      %dma_start3A_112 = tpu.memref_squeeze %dma_start3A_111 : memref<1x16x128xf32, #tpu.memory_space<vmem>> -> memref<16x128xf32, #tpu.memory_space<vmem>>
      %dma_start3A_113 = arith.constant 0 : i32
      %dma_start3A_114 = tpu.memref_slice %arg3[%dma_start3A_113, %mul3A_107] : memref<16x1000000xf32, #tpu.memory_space<hbm>> -> memref<16x128xf32, #tpu.memory_space<hbm>>
      %dma_start3A_115 = arith.constant 0 : i32
      %dma_start3A_116 = arith.constant 0 : i32
      %dma_start3A_117 = tpu.memref_slice %arg8[%dma_start3A_108, %dma_start3A_115, %dma_start3A_116] : memref<16x16x128xf32, #tpu.memory_space<vmem>> -> memref<1x16x128xf32, #tpu.memory_space<vmem>>
      %dma_start3A_118 = tpu.memref_squeeze %dma_start3A_117 : memref<1x16x128xf32, #tpu.memory_space<vmem>> -> memref<16x128xf32, #tpu.memory_space<vmem>>
      %dma_start3A_119 = arith.constant 0 : i32
      %dma_start3A_120 = tpu.memref_slice %arg3[%dma_start3A_119, %mul3A_107] : memref<16x1000000xf32, #tpu.memory_space<hbm>> -> memref<16x128xf32, #tpu.memory_space<hbm>>
      tpu.enqueue_dma source(%dma_start3A_120 : memref<16x128xf32, #tpu.memory_space<hbm>>) target(%dma_start3A_118 : memref<16x128xf32, #tpu.memory_space<vmem>>) target_semaphore(%arg15 : memref<!tpu.dma_semaphore, #tpu.memory_space<semaphore_mem>>)
      %slice3A_121 = vector.extract_strided_slice %min3A_15 {offsets = [6], sizes = [1], strides = [1]} : vector<16xi32> to vector<1xi32>
      %squeeze3A_122 = vector.extract %slice3A_121[0] : i32 from vector<1xi32>
      %mul3A_123 = arith.constant 128 : i32
      %mul3A_124 = arith.muli %squeeze3A_122, %mul3A_123 : i32
      %dma_start3A_125 = arith.constant 6 : i32
      %dma_start3A_126 = arith.constant 0 : i32
      %dma_start3A_127 = arith.constant 0 : i32
      %dma_start3A_128 = tpu.memref_slice %arg8[%dma_start3A_125, %dma_start3A_126, %dma_start3A_127] : memref<16x16x128xf32, #tpu.memory_space<vmem>> -> memref<1x16x128xf32, #tpu.memory_space<vmem>>
      %dma_start3A_129 = tpu.memref_squeeze %dma_start3A_128 : memref<1x16x128xf32, #tpu.memory_space<vmem>> -> memref<16x128xf32, #tpu.memory_space<vmem>>
      %dma_start3A_130 = arith.constant 0 : i32
      %dma_start3A_131 = tpu.memref_slice %arg3[%dma_start3A_130, %mul3A_124] : memref<16x1000000xf32, #tpu.memory_space<hbm>> -> memref<16x128xf32, #tpu.memory_space<hbm>>
      %dma_start3A_132 = arith.constant 0 : i32
      %dma_start3A_133 = arith.constant 0 : i32
      %dma_start3A_134 = tpu.memref_slice %arg8[%dma_start3A_125, %dma_start3A_132, %dma_start3A_133] : memref<16x16x128xf32, #tpu.memory_space<vmem>> -> memref<1x16x128xf32, #tpu.memory_space<vmem>>
      %dma_start3A_135 = tpu.memref_squeeze %dma_start3A_134 : memref<1x16x128xf32, #tpu.memory_space<vmem>> -> memref<16x128xf32, #tpu.memory_space<vmem>>
      %dma_start3A_136 = arith.constant 0 : i32
      %dma_start3A_137 = tpu.memref_slice %arg3[%dma_start3A_136, %mul3A_124] : memref<16x1000000xf32, #tpu.memory_space<hbm>> -> memref<16x128xf32, #tpu.memory_space<hbm>>
      tpu.enqueue_dma source(%dma_start3A_137 : memref<16x128xf32, #tpu.memory_space<hbm>>) target(%dma_start3A_135 : memref<16x128xf32, #tpu.memory_space<vmem>>) target_semaphore(%arg16 : memref<!tpu.dma_semaphore, #tpu.memory_space<semaphore_mem>>)
      %slice3A_138 = vector.extract_strided_slice %min3A_15 {offsets = [7], sizes = [1], strides = [1]} : vector<16xi32> to vector<1xi32>
      %squeeze3A_139 = vector.extract %slice3A_138[0] : i32 from vector<1xi32>
      %mul3A_140 = arith.constant 128 : i32
      %mul3A_141 = arith.muli %squeeze3A_139, %mul3A_140 : i32
      %dma_start3A_142 = arith.constant 7 : i32
      %dma_start3A_143 = arith.constant 0 : i32
      %dma_start3A_144 = arith.constant 0 : i32
      %dma_start3A_145 = tpu.memref_slice %arg8[%dma_start3A_142, %dma_start3A_143, %dma_start3A_144] : memref<16x16x128xf32, #tpu.memory_space<vmem>> -> memref<1x16x128xf32, #tpu.memory_space<vmem>>
      %dma_start3A_146 = tpu.memref_squeeze %dma_start3A_145 : memref<1x16x128xf32, #tpu.memory_space<vmem>> -> memref<16x128xf32, #tpu.memory_space<vmem>>
      %dma_start3A_147 = arith.constant 0 : i32
      %dma_start3A_148 = tpu.memref_slice %arg3[%dma_start3A_147, %mul3A_141] : memref<16x1000000xf32, #tpu.memory_space<hbm>> -> memref<16x128xf32, #tpu.memory_space<hbm>>
      %dma_start3A_149 = arith.constant 0 : i32
      %dma_start3A_150 = arith.constant 0 : i32
      %dma_start3A_151 = tpu.memref_slice %arg8[%dma_start3A_142, %dma_start3A_149, %dma_start3A_150] : memref<16x16x128xf32, #tpu.memory_space<vmem>> -> memref<1x16x128xf32, #tpu.memory_space<vmem>>
      %dma_start3A_152 = tpu.memref_squeeze %dma_start3A_151 : memref<1x16x128xf32, #tpu.memory_space<vmem>> -> memref<16x128xf32, #tpu.memory_space<vmem>>
      %dma_start3A_153 = arith.constant 0 : i32
      %dma_start3A_154 = tpu.memref_slice %arg3[%dma_start3A_153, %mul3A_141] : memref<16x1000000xf32, #tpu.memory_space<hbm>> -> memref<16x128xf32, #tpu.memory_space<hbm>>
      tpu.enqueue_dma source(%dma_start3A_154 : memref<16x128xf32, #tpu.memory_space<hbm>>) target(%dma_start3A_152 : memref<16x128xf32, #tpu.memory_space<vmem>>) target_semaphore(%arg17 : memref<!tpu.dma_semaphore, #tpu.memory_space<semaphore_mem>>)
      %slice3A_155 = vector.extract_strided_slice %min3A_15 {offsets = [8], sizes = [1], strides = [1]} : vector<16xi32> to vector<1xi32>
      %squeeze3A_156 = vector.extract %slice3A_155[0] : i32 from vector<1xi32>
      %mul3A_157 = arith.constant 128 : i32
      %mul3A_158 = arith.muli %squeeze3A_156, %mul3A_157 : i32
      %dma_start3A_159 = arith.constant 8 : i32
      %dma_start3A_160 = arith.constant 0 : i32
      %dma_start3A_161 = arith.constant 0 : i32
      %dma_start3A_162 = tpu.memref_slice %arg8[%dma_start3A_159, %dma_start3A_160, %dma_start3A_161] : memref<16x16x128xf32, #tpu.memory_space<vmem>> -> memref<1x16x128xf32, #tpu.memory_space<vmem>>
      %dma_start3A_163 = tpu.memref_squeeze %dma_start3A_162 : memref<1x16x128xf32, #tpu.memory_space<vmem>> -> memref<16x128xf32, #tpu.memory_space<vmem>>
      %dma_start3A_164 = arith.constant 0 : i32
      %dma_start3A_165 = tpu.memref_slice %arg3[%dma_start3A_164, %mul3A_158] : memref<16x1000000xf32, #tpu.memory_space<hbm>> -> memref<16x128xf32, #tpu.memory_space<hbm>>
      %dma_start3A_166 = arith.constant 0 : i32
      %dma_start3A_167 = arith.constant 0 : i32
      %dma_start3A_168 = tpu.memref_slice %arg8[%dma_start3A_159, %dma_start3A_166, %dma_start3A_167] : memref<16x16x128xf32, #tpu.memory_space<vmem>> -> memref<1x16x128xf32, #tpu.memory_space<vmem>>
      %dma_start3A_169 = tpu.memref_squeeze %dma_start3A_168 : memref<1x16x128xf32, #tpu.memory_space<vmem>> -> memref<16x128xf32, #tpu.memory_space<vmem>>
      %dma_start3A_170 = arith.constant 0 : i32
      %dma_start3A_171 = tpu.memref_slice %arg3[%dma_start3A_170, %mul3A_158] : memref<16x1000000xf32, #tpu.memory_space<hbm>> -> memref<16x128xf32, #tpu.memory_space<hbm>>
      tpu.enqueue_dma source(%dma_start3A_171 : memref<16x128xf32, #tpu.memory_space<hbm>>) target(%dma_start3A_169 : memref<16x128xf32, #tpu.memory_space<vmem>>) target_semaphore(%arg18 : memref<!tpu.dma_semaphore, #tpu.memory_space<semaphore_mem>>)
      %slice3A_172 = vector.extract_strided_slice %min3A_15 {offsets = [9], sizes = [1], strides = [1]} : vector<16xi32> to vector<1xi32>
      %squeeze3A_173 = vector.extract %slice3A_172[0] : i32 from vector<1xi32>
      %mul3A_174 = arith.constant 128 : i32
      %mul3A_175 = arith.muli %squeeze3A_173, %mul3A_174 : i32
      %dma_start3A_176 = arith.constant 9 : i32
      %dma_start3A_177 = arith.constant 0 : i32
      %dma_start3A_178 = arith.constant 0 : i32
      %dma_start3A_179 = tpu.memref_slice %arg8[%dma_start3A_176, %dma_start3A_177, %dma_start3A_178] : memref<16x16x128xf32, #tpu.memory_space<vmem>> -> memref<1x16x128xf32, #tpu.memory_space<vmem>>
      %dma_start3A_180 = tpu.memref_squeeze %dma_start3A_179 : memref<1x16x128xf32, #tpu.memory_space<vmem>> -> memref<16x128xf32, #tpu.memory_space<vmem>>
      %dma_start3A_181 = arith.constant 0 : i32
      %dma_start3A_182 = tpu.memref_slice %arg3[%dma_start3A_181, %mul3A_175] : memref<16x1000000xf32, #tpu.memory_space<hbm>> -> memref<16x128xf32, #tpu.memory_space<hbm>>
      %dma_start3A_183 = arith.constant 0 : i32
      %dma_start3A_184 = arith.constant 0 : i32
      %dma_start3A_185 = tpu.memref_slice %arg8[%dma_start3A_176, %dma_start3A_183, %dma_start3A_184] : memref<16x16x128xf32, #tpu.memory_space<vmem>> -> memref<1x16x128xf32, #tpu.memory_space<vmem>>
      %dma_start3A_186 = tpu.memref_squeeze %dma_start3A_185 : memref<1x16x128xf32, #tpu.memory_space<vmem>> -> memref<16x128xf32, #tpu.memory_space<vmem>>
      %dma_start3A_187 = arith.constant 0 : i32
      %dma_start3A_188 = tpu.memref_slice %arg3[%dma_start3A_187, %mul3A_175] : memref<16x1000000xf32, #tpu.memory_space<hbm>> -> memref<16x128xf32, #tpu.memory_space<hbm>>
      tpu.enqueue_dma source(%dma_start3A_188 : memref<16x128xf32, #tpu.memory_space<hbm>>) target(%dma_start3A_186 : memref<16x128xf32, #tpu.memory_space<vmem>>) target_semaphore(%arg19 : memref<!tpu.dma_semaphore, #tpu.memory_space<semaphore_mem>>)
      %slice3A_189 = vector.extract_strided_slice %min3A_15 {offsets = [10], sizes = [1], strides = [1]} : vector<16xi32> to vector<1xi32>
      %squeeze3A_190 = vector.extract %slice3A_189[0] : i32 from vector<1xi32>
      %mul3A_191 = arith.constant 128 : i32
      %mul3A_192 = arith.muli %squeeze3A_190, %mul3A_191 : i32
      %dma_start3A_193 = arith.constant 10 : i32
      %dma_start3A_194 = arith.constant 0 : i32
      %dma_start3A_195 = arith.constant 0 : i32
      %dma_start3A_196 = tpu.memref_slice %arg8[%dma_start3A_193, %dma_start3A_194, %dma_start3A_195] : memref<16x16x128xf32, #tpu.memory_space<vmem>> -> memref<1x16x128xf32, #tpu.memory_space<vmem>>
      %dma_start3A_197 = tpu.memref_squeeze %dma_start3A_196 : memref<1x16x128xf32, #tpu.memory_space<vmem>> -> memref<16x128xf32, #tpu.memory_space<vmem>>
      %dma_start3A_198 = arith.constant 0 : i32
      %dma_start3A_199 = tpu.memref_slice %arg3[%dma_start3A_198, %mul3A_192] : memref<16x1000000xf32, #tpu.memory_space<hbm>> -> memref<16x128xf32, #tpu.memory_space<hbm>>
      %dma_start3A_200 = arith.constant 0 : i32
      %dma_start3A_201 = arith.constant 0 : i32
      %dma_start3A_202 = tpu.memref_slice %arg8[%dma_start3A_193, %dma_start3A_200, %dma_start3A_201] : memref<16x16x128xf32, #tpu.memory_space<vmem>> -> memref<1x16x128xf32, #tpu.memory_space<vmem>>
      %dma_start3A_203 = tpu.memref_squeeze %dma_start3A_202 : memref<1x16x128xf32, #tpu.memory_space<vmem>> -> memref<16x128xf32, #tpu.memory_space<vmem>>
      %dma_start3A_204 = arith.constant 0 : i32
      %dma_start3A_205 = tpu.memref_slice %arg3[%dma_start3A_204, %mul3A_192] : memref<16x1000000xf32, #tpu.memory_space<hbm>> -> memref<16x128xf32, #tpu.memory_space<hbm>>
      tpu.enqueue_dma source(%dma_start3A_205 : memref<16x128xf32, #tpu.memory_space<hbm>>) target(%dma_start3A_203 : memref<16x128xf32, #tpu.memory_space<vmem>>) target_semaphore(%arg20 : memref<!tpu.dma_semaphore, #tpu.memory_space<semaphore_mem>>)
      %slice3A_206 = vector.extract_strided_slice %min3A_15 {offsets = [11], sizes = [1], strides = [1]} : vector<16xi32> to vector<1xi32>
      %squeeze3A_207 = vector.extract %slice3A_206[0] : i32 from vector<1xi32>
      %mul3A_208 = arith.constant 128 : i32
      %mul3A_209 = arith.muli %squeeze3A_207, %mul3A_208 : i32
      %dma_start3A_210 = arith.constant 11 : i32
      %dma_start3A_211 = arith.constant 0 : i32
      %dma_start3A_212 = arith.constant 0 : i32
      %dma_start3A_213 = tpu.memref_slice %arg8[%dma_start3A_210, %dma_start3A_211, %dma_start3A_212] : memref<16x16x128xf32, #tpu.memory_space<vmem>> -> memref<1x16x128xf32, #tpu.memory_space<vmem>>
      %dma_start3A_214 = tpu.memref_squeeze %dma_start3A_213 : memref<1x16x128xf32, #tpu.memory_space<vmem>> -> memref<16x128xf32, #tpu.memory_space<vmem>>
      %dma_start3A_215 = arith.constant 0 : i32
      %dma_start3A_216 = tpu.memref_slice %arg3[%dma_start3A_215, %mul3A_209] : memref<16x1000000xf32, #tpu.memory_space<hbm>> -> memref<16x128xf32, #tpu.memory_space<hbm>>
      %dma_start3A_217 = arith.constant 0 : i32
      %dma_start3A_218 = arith.constant 0 : i32
      %dma_start3A_219 = tpu.memref_slice %arg8[%dma_start3A_210, %dma_start3A_217, %dma_start3A_218] : memref<16x16x128xf32, #tpu.memory_space<vmem>> -> memref<1x16x128xf32, #tpu.memory_space<vmem>>
      %dma_start3A_220 = tpu.memref_squeeze %dma_start3A_219 : memref<1x16x128xf32, #tpu.memory_space<vmem>> -> memref<16x128xf32, #tpu.memory_space<vmem>>
      %dma_start3A_221 = arith.constant 0 : i32
      %dma_start3A_222 = tpu.memref_slice %arg3[%dma_start3A_221, %mul3A_209] : memref<16x1000000xf32, #tpu.memory_space<hbm>> -> memref<16x128xf32, #tpu.memory_space<hbm>>
      tpu.enqueue_dma source(%dma_start3A_222 : memref<16x128xf32, #tpu.memory_space<hbm>>) target(%dma_start3A_220 : memref<16x128xf32, #tpu.memory_space<vmem>>) target_semaphore(%arg21 : memref<!tpu.dma_semaphore, #tpu.memory_space<semaphore_mem>>)
      %slice3A_223 = vector.extract_strided_slice %min3A_15 {offsets = [12], sizes = [1], strides = [1]} : vector<16xi32> to vector<1xi32>
      %squeeze3A_224 = vector.extract %slice3A_223[0] : i32 from vector<1xi32>
      %mul3A_225 = arith.constant 128 : i32
      %mul3A_226 = arith.muli %squeeze3A_224, %mul3A_225 : i32
      %dma_start3A_227 = arith.constant 12 : i32
      %dma_start3A_228 = arith.constant 0 : i32
      %dma_start3A_229 = arith.constant 0 : i32
      %dma_start3A_230 = tpu.memref_slice %arg8[%dma_start3A_227, %dma_start3A_228, %dma_start3A_229] : memref<16x16x128xf32, #tpu.memory_space<vmem>> -> memref<1x16x128xf32, #tpu.memory_space<vmem>>
      %dma_start3A_231 = tpu.memref_squeeze %dma_start3A_230 : memref<1x16x128xf32, #tpu.memory_space<vmem>> -> memref<16x128xf32, #tpu.memory_space<vmem>>
      %dma_start3A_232 = arith.constant 0 : i32
      %dma_start3A_233 = tpu.memref_slice %arg3[%dma_start3A_232, %mul3A_226] : memref<16x1000000xf32, #tpu.memory_space<hbm>> -> memref<16x128xf32, #tpu.memory_space<hbm>>
      %dma_start3A_234 = arith.constant 0 : i32
      %dma_start3A_235 = arith.constant 0 : i32
      %dma_start3A_236 = tpu.memref_slice %arg8[%dma_start3A_227, %dma_start3A_234, %dma_start3A_235] : memref<16x16x128xf32, #tpu.memory_space<vmem>> -> memref<1x16x128xf32, #tpu.memory_space<vmem>>
      %dma_start3A_237 = tpu.memref_squeeze %dma_start3A_236 : memref<1x16x128xf32, #tpu.memory_space<vmem>> -> memref<16x128xf32, #tpu.memory_space<vmem>>
      %dma_start3A_238 = arith.constant 0 : i32
      %dma_start3A_239 = tpu.memref_slice %arg3[%dma_start3A_238, %mul3A_226] : memref<16x1000000xf32, #tpu.memory_space<hbm>> -> memref<16x128xf32, #tpu.memory_space<hbm>>
      tpu.enqueue_dma source(%dma_start3A_239 : memref<16x128xf32, #tpu.memory_space<hbm>>) target(%dma_start3A_237 : memref<16x128xf32, #tpu.memory_space<vmem>>) target_semaphore(%arg22 : memref<!tpu.dma_semaphore, #tpu.memory_space<semaphore_mem>>)
      %slice3A_240 = vector.extract_strided_slice %min3A_15 {offsets = [13], sizes = [1], strides = [1]} : vector<16xi32> to vector<1xi32>
      %squeeze3A_241 = vector.extract %slice3A_240[0] : i32 from vector<1xi32>
      %mul3A_242 = arith.constant 128 : i32
      %mul3A_243 = arith.muli %squeeze3A_241, %mul3A_242 : i32
      %dma_start3A_244 = arith.constant 13 : i32
      %dma_start3A_245 = arith.constant 0 : i32
      %dma_start3A_246 = arith.constant 0 : i32
      %dma_start3A_247 = tpu.memref_slice %arg8[%dma_start3A_244, %dma_start3A_245, %dma_start3A_246] : memref<16x16x128xf32, #tpu.memory_space<vmem>> -> memref<1x16x128xf32, #tpu.memory_space<vmem>>
      %dma_start3A_248 = tpu.memref_squeeze %dma_start3A_247 : memref<1x16x128xf32, #tpu.memory_space<vmem>> -> memref<16x128xf32, #tpu.memory_space<vmem>>
      %dma_start3A_249 = arith.constant 0 : i32
      %dma_start3A_250 = tpu.memref_slice %arg3[%dma_start3A_249, %mul3A_243] : memref<16x1000000xf32, #tpu.memory_space<hbm>> -> memref<16x128xf32, #tpu.memory_space<hbm>>
      %dma_start3A_251 = arith.constant 0 : i32
      %dma_start3A_252 = arith.constant 0 : i32
      %dma_start3A_253 = tpu.memref_slice %arg8[%dma_start3A_244, %dma_start3A_251, %dma_start3A_252] : memref<16x16x128xf32, #tpu.memory_space<vmem>> -> memref<1x16x128xf32, #tpu.memory_space<vmem>>
      %dma_start3A_254 = tpu.memref_squeeze %dma_start3A_253 : memref<1x16x128xf32, #tpu.memory_space<vmem>> -> memref<16x128xf32, #tpu.memory_space<vmem>>
      %dma_start3A_255 = arith.constant 0 : i32
      %dma_start3A_256 = tpu.memref_slice %arg3[%dma_start3A_255, %mul3A_243] : memref<16x1000000xf32, #tpu.memory_space<hbm>> -> memref<16x128xf32, #tpu.memory_space<hbm>>
      tpu.enqueue_dma source(%dma_start3A_256 : memref<16x128xf32, #tpu.memory_space<hbm>>) target(%dma_start3A_254 : memref<16x128xf32, #tpu.memory_space<vmem>>) target_semaphore(%arg23 : memref<!tpu.dma_semaphore, #tpu.memory_space<semaphore_mem>>)
      %slice3A_257 = vector.extract_strided_slice %min3A_15 {offsets = [14], sizes = [1], strides = [1]} : vector<16xi32> to vector<1xi32>
      %squeeze3A_258 = vector.extract %slice3A_257[0] : i32 from vector<1xi32>
      %mul3A_259 = arith.constant 128 : i32
      %mul3A_260 = arith.muli %squeeze3A_258, %mul3A_259 : i32
      %dma_start3A_261 = arith.constant 14 : i32
      %dma_start3A_262 = arith.constant 0 : i32
      %dma_start3A_263 = arith.constant 0 : i32
      %dma_start3A_264 = tpu.memref_slice %arg8[%dma_start3A_261, %dma_start3A_262, %dma_start3A_263] : memref<16x16x128xf32, #tpu.memory_space<vmem>> -> memref<1x16x128xf32, #tpu.memory_space<vmem>>
      %dma_start3A_265 = tpu.memref_squeeze %dma_start3A_264 : memref<1x16x128xf32, #tpu.memory_space<vmem>> -> memref<16x128xf32, #tpu.memory_space<vmem>>
      %dma_start3A_266 = arith.constant 0 : i32
      %dma_start3A_267 = tpu.memref_slice %arg3[%dma_start3A_266, %mul3A_260] : memref<16x1000000xf32, #tpu.memory_space<hbm>> -> memref<16x128xf32, #tpu.memory_space<hbm>>
      %dma_start3A_268 = arith.constant 0 : i32
      %dma_start3A_269 = arith.constant 0 : i32
      %dma_start3A_270 = tpu.memref_slice %arg8[%dma_start3A_261, %dma_start3A_268, %dma_start3A_269] : memref<16x16x128xf32, #tpu.memory_space<vmem>> -> memref<1x16x128xf32, #tpu.memory_space<vmem>>
      %dma_start3A_271 = tpu.memref_squeeze %dma_start3A_270 : memref<1x16x128xf32, #tpu.memory_space<vmem>> -> memref<16x128xf32, #tpu.memory_space<vmem>>
      %dma_start3A_272 = arith.constant 0 : i32
      %dma_start3A_273 = tpu.memref_slice %arg3[%dma_start3A_272, %mul3A_260] : memref<16x1000000xf32, #tpu.memory_space<hbm>> -> memref<16x128xf32, #tpu.memory_space<hbm>>
      tpu.enqueue_dma source(%dma_start3A_273 : memref<16x128xf32, #tpu.memory_space<hbm>>) target(%dma_start3A_271 : memref<16x128xf32, #tpu.memory_space<vmem>>) target_semaphore(%arg24 : memref<!tpu.dma_semaphore, #tpu.memory_space<semaphore_mem>>)
      %slice3A_274 = vector.extract_strided_slice %min3A_15 {offsets = [15], sizes = [1], strides = [1]} : vector<16xi32> to vector<1xi32>
      %squeeze3A_275 = vector.extract %slice3A_274[0] : i32 from vector<1xi32>
      %mul3A_276 = arith.constant 128 : i32
      %mul3A_277 = arith.muli %squeeze3A_275, %mul3A_276 : i32
      %dma_start3A_278 = arith.constant 15 : i32
      %dma_start3A_279 = arith.constant 0 : i32
      %dma_start3A_280 = arith.constant 0 : i32
      %dma_start3A_281 = tpu.memref_slice %arg8[%dma_start3A_278, %dma_start3A_279, %dma_start3A_280] : memref<16x16x128xf32, #tpu.memory_space<vmem>> -> memref<1x16x128xf32, #tpu.memory_space<vmem>>
      %dma_start3A_282 = tpu.memref_squeeze %dma_start3A_281 : memref<1x16x128xf32, #tpu.memory_space<vmem>> -> memref<16x128xf32, #tpu.memory_space<vmem>>
      %dma_start3A_283 = arith.constant 0 : i32
      %dma_start3A_284 = tpu.memref_slice %arg3[%dma_start3A_283, %mul3A_277] : memref<16x1000000xf32, #tpu.memory_space<hbm>> -> memref<16x128xf32, #tpu.memory_space<hbm>>
      %dma_start3A_285 = arith.constant 0 : i32
      %dma_start3A_286 = arith.constant 0 : i32
      %dma_start3A_287 = tpu.memref_slice %arg8[%dma_start3A_278, %dma_start3A_285, %dma_start3A_286] : memref<16x16x128xf32, #tpu.memory_space<vmem>> -> memref<1x16x128xf32, #tpu.memory_space<vmem>>
      %dma_start3A_288 = tpu.memref_squeeze %dma_start3A_287 : memref<1x16x128xf32, #tpu.memory_space<vmem>> -> memref<16x128xf32, #tpu.memory_space<vmem>>
      %dma_start3A_289 = arith.constant 0 : i32
      %dma_start3A_290 = tpu.memref_slice %arg3[%dma_start3A_289, %mul3A_277] : memref<16x1000000xf32, #tpu.memory_space<hbm>> -> memref<16x128xf32, #tpu.memory_space<hbm>>
      tpu.enqueue_dma source(%dma_start3A_290 : memref<16x128xf32, #tpu.memory_space<hbm>>) target(%dma_start3A_288 : memref<16x128xf32, #tpu.memory_space<vmem>>) target_semaphore(%arg25 : memref<!tpu.dma_semaphore, #tpu.memory_space<semaphore_mem>>)
      %dma_wait3A = arith.constant 0 : i32
      %dma_wait3A_291 = arith.constant 0 : i32
      %dma_wait3A_292 = arith.constant 0 : i32
      %dma_wait3A_293 = tpu.memref_slice %arg8[%dma_wait3A, %dma_wait3A_291, %dma_wait3A_292] : memref<16x16x128xf32, #tpu.memory_space<vmem>> -> memref<1x16x128xf32, #tpu.memory_space<vmem>>
      %dma_wait3A_294 = tpu.memref_squeeze %dma_wait3A_293 : memref<1x16x128xf32, #tpu.memory_space<vmem>> -> memref<16x128xf32, #tpu.memory_space<vmem>>
      %dma_wait3A_295 = arith.constant 0 : i32
      %dma_wait3A_296 = arith.constant 0 : i32
      %dma_wait3A_297 = tpu.memref_slice %arg3[%dma_wait3A_295, %dma_wait3A_296] : memref<16x1000000xf32, #tpu.memory_space<hbm>> -> memref<16x128xf32, #tpu.memory_space<hbm>>
      %dma_wait3A_298 = arith.constant 0 : i32
      %dma_wait3A_299 = arith.constant 0 : i32
      %dma_wait3A_300 = tpu.memref_slice %arg8[%dma_wait3A, %dma_wait3A_298, %dma_wait3A_299] : memref<16x16x128xf32, #tpu.memory_space<vmem>> -> memref<1x16x128xf32, #tpu.memory_space<vmem>>
      %dma_wait3A_301 = tpu.memref_squeeze %dma_wait3A_300 : memref<1x16x128xf32, #tpu.memory_space<vmem>> -> memref<16x128xf32, #tpu.memory_space<vmem>>
      %dma_wait3A_302 = arith.constant 0 : i32
      %dma_wait3A_303 = arith.constant 0 : i32
      %dma_wait3A_304 = tpu.memref_slice %arg3[%dma_wait3A_302, %dma_wait3A_303] : memref<16x1000000xf32, #tpu.memory_space<hbm>> -> memref<16x128xf32, #tpu.memory_space<hbm>>
      tpu.wait_dma2 semaphore(%arg10 : memref<!tpu.dma_semaphore, #tpu.memory_space<semaphore_mem>>) src(%dma_wait3A_304 : memref<16x128xf32, #tpu.memory_space<hbm>>) dst(%dma_wait3A_301 : memref<16x128xf32, #tpu.memory_space<vmem>>)
      %slice3A_305 = vector.extract_strided_slice %and3A_17 {offsets = [0], sizes = [1], strides = [1]} : vector<16xi32> to vector<1xi32>
      %squeeze3A_306 = vector.extract %slice3A_305[0] : i32 from vector<1xi32>
      %broadcast_in_dim3A = vector.broadcast %squeeze3A_306 : i32 to vector<16xi32>
      %gather3A = arith.constant 0 : i32
      %gather3A_307 = arith.constant 0 : i32
      %gather3A_308 = arith.constant 0 : i32
      %gather3A_309 = tpu.memref_slice %arg8[%gather3A, %gather3A_307, %gather3A_308] : memref<16x16x128xf32, #tpu.memory_space<vmem>> -> memref<1x16x128xf32, #tpu.memory_space<vmem>>
      %gather3A_310 = tpu.memref_squeeze %gather3A_309 : memref<1x16x128xf32, #tpu.memory_space<vmem>> -> memref<16x128xf32, #tpu.memory_space<vmem>>
      %gather3A_311 = tpu.vector_load_idx %gather3A_310[%iota3A, %broadcast_in_dim3A] : memref<16x128xf32, #tpu.memory_space<vmem>>[vector<16xi32>, vector<16xi32>], vector<16xf32>,
      %slice3A_312 = vector.extract_strided_slice %max3A_21 {offsets = [0], sizes = [1], strides = [1]} : vector<16xi32> to vector<1xi32>
      %squeeze3A_313 = vector.extract %slice3A_312[0] : i32 from vector<1xi32>
      %broadcast_in_dim3A_314 = vector.broadcast %squeeze3A_313 : i32 to vector<16xi32>
      %gather3A_315 = tpu.vector_load_idx %arg9[%iota3A, %broadcast_in_dim3A_314] : memref<16x128xf32, #tpu.memory_space<vmem>>[vector<16xi32>, vector<16xi32>], vector<16xf32>,
      %slice3A_316 = vector.extract_strided_slice %get3A_11 {offsets = [0], sizes = [1], strides = [1]} : vector<16xi32> to vector<1xi32>
      %squeeze3A_317 = vector.extract %slice3A_316[0] : i32 from vector<1xi32>
      %broadcast_in_dim3A_318 = vector.broadcast %squeeze3A_317 : i32 to vector<16xi32>
      %lt3A = arith.constant 999936 : i32
      %lt3A_319 = vector.broadcast %lt3A : i32 to vector<16xi32>
      %lt3A_320 = arith.cmpi slt, %broadcast_in_dim3A_318, %lt3A_319 : vector<16xi32>
      %select_n3A = arith.select %lt3A_320, %gather3A_311, %gather3A_315 : vector<16xi1>, vector<16xf32>
      %mul3A_321 = arith.constant 16 : i32
      %mul3A_322 = arith.muli %scan3A_8, %mul3A_321 : i32
      %add3A_323 = arith.constant 0 : i32
      %add3A_324 = arith.addi %mul3A_322, %add3A_323 : i32
      %broadcast_in_dim3A_325 = vector.broadcast %add3A_324 : i32 to vector<16xi32>
      tpu.vector_store_idx %arg7[%iota3A, %broadcast_in_dim3A_325], %select_n3A : memref<16x512xf32, #tpu.memory_space<vmem>>[vector<16xi32>, vector<16xi32>], vector<16xf32>,
      %dma_wait3A_326 = arith.constant 1 : i32
      %dma_wait3A_327 = arith.constant 0 : i32
      %dma_wait3A_328 = arith.constant 0 : i32
      %dma_wait3A_329 = tpu.memref_slice %arg8[%dma_wait3A_326, %dma_wait3A_327, %dma_wait3A_328] : memref<16x16x128xf32, #tpu.memory_space<vmem>> -> memref<1x16x128xf32, #tpu.memory_space<vmem>>
      %dma_wait3A_330 = tpu.memref_squeeze %dma_wait3A_329 : memref<1x16x128xf32, #tpu.memory_space<vmem>> -> memref<16x128xf32, #tpu.memory_space<vmem>>
      %dma_wait3A_331 = arith.constant 0 : i32
      %dma_wait3A_332 = arith.constant 0 : i32
      %dma_wait3A_333 = tpu.memref_slice %arg3[%dma_wait3A_331, %dma_wait3A_332] : memref<16x1000000xf32, #tpu.memory_space<hbm>> -> memref<16x128xf32, #tpu.memory_space<hbm>>
      %dma_wait3A_334 = arith.constant 0 : i32
      %dma_wait3A_335 = arith.constant 0 : i32
      %dma_wait3A_336 = tpu.memref_slice %arg8[%dma_wait3A_326, %dma_wait3A_334, %dma_wait3A_335] : memref<16x16x128xf32, #tpu.memory_space<vmem>> -> memref<1x16x128xf32, #tpu.memory_space<vmem>>
      %dma_wait3A_337 = tpu.memref_squeeze %dma_wait3A_336 : memref<1x16x128xf32, #tpu.memory_space<vmem>> -> memref<16x128xf32, #tpu.memory_space<vmem>>
      %dma_wait3A_338 = arith.constant 0 : i32
      %dma_wait3A_339 = arith.constant 0 : i32
      %dma_wait3A_340 = tpu.memref_slice %arg3[%dma_wait3A_338, %dma_wait3A_339] : memref<16x1000000xf32, #tpu.memory_space<hbm>> -> memref<16x128xf32, #tpu.memory_space<hbm>>
      tpu.wait_dma2 semaphore(%arg11 : memref<!tpu.dma_semaphore, #tpu.memory_space<semaphore_mem>>) src(%dma_wait3A_340 : memref<16x128xf32, #tpu.memory_space<hbm>>) dst(%dma_wait3A_337 : memref<16x128xf32, #tpu.memory_space<vmem>>)
      %slice3A_341 = vector.extract_strided_slice %and3A_17 {offsets = [1], sizes = [1], strides = [1]} : vector<16xi32> to vector<1xi32>
      %squeeze3A_342 = vector.extract %slice3A_341[0] : i32 from vector<1xi32>
      %broadcast_in_dim3A_343 = vector.broadcast %squeeze3A_342 : i32 to vector<16xi32>
      %gather3A_344 = arith.constant 1 : i32
      %gather3A_345 = arith.constant 0 : i32
      %gather3A_346 = arith.constant 0 : i32
      %gather3A_347 = tpu.memref_slice %arg8[%gather3A_344, %gather3A_345, %gather3A_346] : memref<16x16x128xf32, #tpu.memory_space<vmem>> -> memref<1x16x128xf32, #tpu.memory_space<vmem>>
      %gather3A_348 = tpu.memref_squeeze %gather3A_347 : memref<1x16x128xf32, #tpu.memory_space<vmem>> -> memref<16x128xf32, #tpu.memory_space<vmem>>
      %gather3A_349 = tpu.vector_load_idx %gather3A_348[%iota3A, %broadcast_in_dim3A_343] : memref<16x128xf32, #tpu.memory_space<vmem>>[vector<16xi32>, vector<16xi32>], vector<16xf32>,
      %slice3A_350 = vector.extract_strided_slice %max3A_21 {offsets = [1], sizes = [1], strides = [1]} : vector<16xi32> to vector<1xi32>
      %squeeze3A_351 = vector.extract %slice3A_350[0] : i32 from vector<1xi32>
      %broadcast_in_dim3A_352 = vector.broadcast %squeeze3A_351 : i32 to vector<16xi32>
      %gather3A_353 = tpu.vector_load_idx %arg9[%iota3A, %broadcast_in_dim3A_352] : memref<16x128xf32, #tpu.memory_space<vmem>>[vector<16xi32>, vector<16xi32>], vector<16xf32>,
      %slice3A_354 = vector.extract_strided_slice %get3A_11 {offsets = [1], sizes = [1], strides = [1]} : vector<16xi32> to vector<1xi32>
      %squeeze3A_355 = vector.extract %slice3A_354[0] : i32 from vector<1xi32>
      %broadcast_in_dim3A_356 = vector.broadcast %squeeze3A_355 : i32 to vector<16xi32>
      %lt3A_357 = arith.constant 999936 : i32
      %lt3A_358 = vector.broadcast %lt3A_357 : i32 to vector<16xi32>
      %lt3A_359 = arith.cmpi slt, %broadcast_in_dim3A_356, %lt3A_358 : vector<16xi32>
      %select_n3A_360 = arith.select %lt3A_359, %gather3A_349, %gather3A_353 : vector<16xi1>, vector<16xf32>
      %mul3A_361 = arith.constant 16 : i32
      %mul3A_362 = arith.muli %scan3A_8, %mul3A_361 : i32
      %add3A_363 = arith.constant 1 : i32
      %add3A_364 = arith.addi %mul3A_362, %add3A_363 : i32
      %broadcast_in_dim3A_365 = vector.broadcast %add3A_364 : i32 to vector<16xi32>
      tpu.vector_store_idx %arg7[%iota3A, %broadcast_in_dim3A_365], %select_n3A_360 : memref<16x512xf32, #tpu.memory_space<vmem>>[vector<16xi32>, vector<16xi32>], vector<16xf32>,
      %dma_wait3A_366 = arith.constant 2 : i32
      %dma_wait3A_367 = arith.constant 0 : i32
      %dma_wait3A_368 = arith.constant 0 : i32
      %dma_wait3A_369 = tpu.memref_slice %arg8[%dma_wait3A_366, %dma_wait3A_367, %dma_wait3A_368] : memref<16x16x128xf32, #tpu.memory_space<vmem>> -> memref<1x16x128xf32, #tpu.memory_space<vmem>>
      %dma_wait3A_370 = tpu.memref_squeeze %dma_wait3A_369 : memref<1x16x128xf32, #tpu.memory_space<vmem>> -> memref<16x128xf32, #tpu.memory_space<vmem>>
      %dma_wait3A_371 = arith.constant 0 : i32
      %dma_wait3A_372 = arith.constant 0 : i32
      %dma_wait3A_373 = tpu.memref_slice %arg3[%dma_wait3A_371, %dma_wait3A_372] : memref<16x1000000xf32, #tpu.memory_space<hbm>> -> memref<16x128xf32, #tpu.memory_space<hbm>>
      %dma_wait3A_374 = arith.constant 0 : i32
      %dma_wait3A_375 = arith.constant 0 : i32
      %dma_wait3A_376 = tpu.memref_slice %arg8[%dma_wait3A_366, %dma_wait3A_374, %dma_wait3A_375] : memref<16x16x128xf32, #tpu.memory_space<vmem>> -> memref<1x16x128xf32, #tpu.memory_space<vmem>>
      %dma_wait3A_377 = tpu.memref_squeeze %dma_wait3A_376 : memref<1x16x128xf32, #tpu.memory_space<vmem>> -> memref<16x128xf32, #tpu.memory_space<vmem>>
      %dma_wait3A_378 = arith.constant 0 : i32
      %dma_wait3A_379 = arith.constant 0 : i32
      %dma_wait3A_380 = tpu.memref_slice %arg3[%dma_wait3A_378, %dma_wait3A_379] : memref<16x1000000xf32, #tpu.memory_space<hbm>> -> memref<16x128xf32, #tpu.memory_space<hbm>>
      tpu.wait_dma2 semaphore(%arg12 : memref<!tpu.dma_semaphore, #tpu.memory_space<semaphore_mem>>) src(%dma_wait3A_380 : memref<16x128xf32, #tpu.memory_space<hbm>>) dst(%dma_wait3A_377 : memref<16x128xf32, #tpu.memory_space<vmem>>)
      %slice3A_381 = vector.extract_strided_slice %and3A_17 {offsets = [2], sizes = [1], strides = [1]} : vector<16xi32> to vector<1xi32>
      %squeeze3A_382 = vector.extract %slice3A_381[0] : i32 from vector<1xi32>
      %broadcast_in_dim3A_383 = vector.broadcast %squeeze3A_382 : i32 to vector<16xi32>
      %gather3A_384 = arith.constant 2 : i32
      %gather3A_385 = arith.constant 0 : i32
      %gather3A_386 = arith.constant 0 : i32
      %gather3A_387 = tpu.memref_slice %arg8[%gather3A_384, %gather3A_385, %gather3A_386] : memref<16x16x128xf32, #tpu.memory_space<vmem>> -> memref<1x16x128xf32, #tpu.memory_space<vmem>>
      %gather3A_388 = tpu.memref_squeeze %gather3A_387 : memref<1x16x128xf32, #tpu.memory_space<vmem>> -> memref<16x128xf32, #tpu.memory_space<vmem>>
      %gather3A_389 = tpu.vector_load_idx %gather3A_388[%iota3A, %broadcast_in_dim3A_383] : memref<16x128xf32, #tpu.memory_space<vmem>>[vector<16xi32>, vector<16xi32>], vector<16xf32>,
      %slice3A_390 = vector.extract_strided_slice %max3A_21 {offsets = [2], sizes = [1], strides = [1]} : vector<16xi32> to vector<1xi32>
      %squeeze3A_391 = vector.extract %slice3A_390[0] : i32 from vector<1xi32>
      %broadcast_in_dim3A_392 = vector.broadcast %squeeze3A_391 : i32 to vector<16xi32>
      %gather3A_393 = tpu.vector_load_idx %arg9[%iota3A, %broadcast_in_dim3A_392] : memref<16x128xf32, #tpu.memory_space<vmem>>[vector<16xi32>, vector<16xi32>], vector<16xf32>,
      %slice3A_394 = vector.extract_strided_slice %get3A_11 {offsets = [2], sizes = [1], strides = [1]} : vector<16xi32> to vector<1xi32>
      %squeeze3A_395 = vector.extract %slice3A_394[0] : i32 from vector<1xi32>
      %broadcast_in_dim3A_396 = vector.broadcast %squeeze3A_395 : i32 to vector<16xi32>
      %lt3A_397 = arith.constant 999936 : i32
      %lt3A_398 = vector.broadcast %lt3A_397 : i32 to vector<16xi32>
      %lt3A_399 = arith.cmpi slt, %broadcast_in_dim3A_396, %lt3A_398 : vector<16xi32>
      %select_n3A_400 = arith.select %lt3A_399, %gather3A_389, %gather3A_393 : vector<16xi1>, vector<16xf32>
      %mul3A_401 = arith.constant 16 : i32
      %mul3A_402 = arith.muli %scan3A_8, %mul3A_401 : i32
      %add3A_403 = arith.constant 2 : i32
      %add3A_404 = arith.addi %mul3A_402, %add3A_403 : i32
      %broadcast_in_dim3A_405 = vector.broadcast %add3A_404 : i32 to vector<16xi32>
      tpu.vector_store_idx %arg7[%iota3A, %broadcast_in_dim3A_405], %select_n3A_400 : memref<16x512xf32, #tpu.memory_space<vmem>>[vector<16xi32>, vector<16xi32>], vector<16xf32>,
      %dma_wait3A_406 = arith.constant 3 : i32
      %dma_wait3A_407 = arith.constant 0 : i32
      %dma_wait3A_408 = arith.constant 0 : i32
      %dma_wait3A_409 = tpu.memref_slice %arg8[%dma_wait3A_406, %dma_wait3A_407, %dma_wait3A_408] : memref<16x16x128xf32, #tpu.memory_space<vmem>> -> memref<1x16x128xf32, #tpu.memory_space<vmem>>
      %dma_wait3A_410 = tpu.memref_squeeze %dma_wait3A_409 : memref<1x16x128xf32, #tpu.memory_space<vmem>> -> memref<16x128xf32, #tpu.memory_space<vmem>>
      %dma_wait3A_411 = arith.constant 0 : i32
      %dma_wait3A_412 = arith.constant 0 : i32
      %dma_wait3A_413 = tpu.memref_slice %arg3[%dma_wait3A_411, %dma_wait3A_412] : memref<16x1000000xf32, #tpu.memory_space<hbm>> -> memref<16x128xf32, #tpu.memory_space<hbm>>
      %dma_wait3A_414 = arith.constant 0 : i32
      %dma_wait3A_415 = arith.constant 0 : i32
      %dma_wait3A_416 = tpu.memref_slice %arg8[%dma_wait3A_406, %dma_wait3A_414, %dma_wait3A_415] : memref<16x16x128xf32, #tpu.memory_space<vmem>> -> memref<1x16x128xf32, #tpu.memory_space<vmem>>
      %dma_wait3A_417 = tpu.memref_squeeze %dma_wait3A_416 : memref<1x16x128xf32, #tpu.memory_space<vmem>> -> memref<16x128xf32, #tpu.memory_space<vmem>>
      %dma_wait3A_418 = arith.constant 0 : i32
      %dma_wait3A_419 = arith.constant 0 : i32
      %dma_wait3A_420 = tpu.memref_slice %arg3[%dma_wait3A_418, %dma_wait3A_419] : memref<16x1000000xf32, #tpu.memory_space<hbm>> -> memref<16x128xf32, #tpu.memory_space<hbm>>
      tpu.wait_dma2 semaphore(%arg13 : memref<!tpu.dma_semaphore, #tpu.memory_space<semaphore_mem>>) src(%dma_wait3A_420 : memref<16x128xf32, #tpu.memory_space<hbm>>) dst(%dma_wait3A_417 : memref<16x128xf32, #tpu.memory_space<vmem>>)
      %slice3A_421 = vector.extract_strided_slice %and3A_17 {offsets = [3], sizes = [1], strides = [1]} : vector<16xi32> to vector<1xi32>
      %squeeze3A_422 = vector.extract %slice3A_421[0] : i32 from vector<1xi32>
      %broadcast_in_dim3A_423 = vector.broadcast %squeeze3A_422 : i32 to vector<16xi32>
      %gather3A_424 = arith.constant 3 : i32
      %gather3A_425 = arith.constant 0 : i32
      %gather3A_426 = arith.constant 0 : i32
      %gather3A_427 = tpu.memref_slice %arg8[%gather3A_424, %gather3A_425, %gather3A_426] : memref<16x16x128xf32, #tpu.memory_space<vmem>> -> memref<1x16x128xf32, #tpu.memory_space<vmem>>
      %gather3A_428 = tpu.memref_squeeze %gather3A_427 : memref<1x16x128xf32, #tpu.memory_space<vmem>> -> memref<16x128xf32, #tpu.memory_space<vmem>>
      %gather3A_429 = tpu.vector_load_idx %gather3A_428[%iota3A, %broadcast_in_dim3A_423] : memref<16x128xf32, #tpu.memory_space<vmem>>[vector<16xi32>, vector<16xi32>], vector<16xf32>,
      %slice3A_430 = vector.extract_strided_slice %max3A_21 {offsets = [3], sizes = [1], strides = [1]} : vector<16xi32> to vector<1xi32>
      %squeeze3A_431 = vector.extract %slice3A_430[0] : i32 from vector<1xi32>
      %broadcast_in_dim3A_432 = vector.broadcast %squeeze3A_431 : i32 to vector<16xi32>
      %gather3A_433 = tpu.vector_load_idx %arg9[%iota3A, %broadcast_in_dim3A_432] : memref<16x128xf32, #tpu.memory_space<vmem>>[vector<16xi32>, vector<16xi32>], vector<16xf32>,
      %slice3A_434 = vector.extract_strided_slice %get3A_11 {offsets = [3], sizes = [1], strides = [1]} : vector<16xi32> to vector<1xi32>
      %squeeze3A_435 = vector.extract %slice3A_434[0] : i32 from vector<1xi32>
      %broadcast_in_dim3A_436 = vector.broadcast %squeeze3A_435 : i32 to vector<16xi32>
      %lt3A_437 = arith.constant 999936 : i32
      %lt3A_438 = vector.broadcast %lt3A_437 : i32 to vector<16xi32>
      %lt3A_439 = arith.cmpi slt, %broadcast_in_dim3A_436, %lt3A_438 : vector<16xi32>
      %select_n3A_440 = arith.select %lt3A_439, %gather3A_429, %gather3A_433 : vector<16xi1>, vector<16xf32>
      %mul3A_441 = arith.constant 16 : i32
      %mul3A_442 = arith.muli %scan3A_8, %mul3A_441 : i32
      %add3A_443 = arith.constant 3 : i32
      %add3A_444 = arith.addi %mul3A_442, %add3A_443 : i32
      %broadcast_in_dim3A_445 = vector.broadcast %add3A_444 : i32 to vector<16xi32>
      tpu.vector_store_idx %arg7[%iota3A, %broadcast_in_dim3A_445], %select_n3A_440 : memref<16x512xf32, #tpu.memory_space<vmem>>[vector<16xi32>, vector<16xi32>], vector<16xf32>,
      %dma_wait3A_446 = arith.constant 4 : i32
      %dma_wait3A_447 = arith.constant 0 : i32
      %dma_wait3A_448 = arith.constant 0 : i32
      %dma_wait3A_449 = tpu.memref_slice %arg8[%dma_wait3A_446, %dma_wait3A_447, %dma_wait3A_448] : memref<16x16x128xf32, #tpu.memory_space<vmem>> -> memref<1x16x128xf32, #tpu.memory_space<vmem>>
      %dma_wait3A_450 = tpu.memref_squeeze %dma_wait3A_449 : memref<1x16x128xf32, #tpu.memory_space<vmem>> -> memref<16x128xf32, #tpu.memory_space<vmem>>
      %dma_wait3A_451 = arith.constant 0 : i32
      %dma_wait3A_452 = arith.constant 0 : i32
      %dma_wait3A_453 = tpu.memref_slice %arg3[%dma_wait3A_451, %dma_wait3A_452] : memref<16x1000000xf32, #tpu.memory_space<hbm>> -> memref<16x128xf32, #tpu.memory_space<hbm>>
      %dma_wait3A_454 = arith.constant 0 : i32
      %dma_wait3A_455 = arith.constant 0 : i32
      %dma_wait3A_456 = tpu.memref_slice %arg8[%dma_wait3A_446, %dma_wait3A_454, %dma_wait3A_455] : memref<16x16x128xf32, #tpu.memory_space<vmem>> -> memref<1x16x128xf32, #tpu.memory_space<vmem>>
      %dma_wait3A_457 = tpu.memref_squeeze %dma_wait3A_456 : memref<1x16x128xf32, #tpu.memory_space<vmem>> -> memref<16x128xf32, #tpu.memory_space<vmem>>
      %dma_wait3A_458 = arith.constant 0 : i32
      %dma_wait3A_459 = arith.constant 0 : i32
      %dma_wait3A_460 = tpu.memref_slice %arg3[%dma_wait3A_458, %dma_wait3A_459] : memref<16x1000000xf32, #tpu.memory_space<hbm>> -> memref<16x128xf32, #tpu.memory_space<hbm>>
      tpu.wait_dma2 semaphore(%arg14 : memref<!tpu.dma_semaphore, #tpu.memory_space<semaphore_mem>>) src(%dma_wait3A_460 : memref<16x128xf32, #tpu.memory_space<hbm>>) dst(%dma_wait3A_457 : memref<16x128xf32, #tpu.memory_space<vmem>>)
      %slice3A_461 = vector.extract_strided_slice %and3A_17 {offsets = [4], sizes = [1], strides = [1]} : vector<16xi32> to vector<1xi32>
      %squeeze3A_462 = vector.extract %slice3A_461[0] : i32 from vector<1xi32>
      %broadcast_in_dim3A_463 = vector.broadcast %squeeze3A_462 : i32 to vector<16xi32>
      %gather3A_464 = arith.constant 4 : i32
      %gather3A_465 = arith.constant 0 : i32
      %gather3A_466 = arith.constant 0 : i32
      %gather3A_467 = tpu.memref_slice %arg8[%gather3A_464, %gather3A_465, %gather3A_466] : memref<16x16x128xf32, #tpu.memory_space<vmem>> -> memref<1x16x128xf32, #tpu.memory_space<vmem>>
      %gather3A_468 = tpu.memref_squeeze %gather3A_467 : memref<1x16x128xf32, #tpu.memory_space<vmem>> -> memref<16x128xf32, #tpu.memory_space<vmem>>
      %gather3A_469 = tpu.vector_load_idx %gather3A_468[%iota3A, %broadcast_in_dim3A_463] : memref<16x128xf32, #tpu.memory_space<vmem>>[vector<16xi32>, vector<16xi32>], vector<16xf32>,
      %slice3A_470 = vector.extract_strided_slice %max3A_21 {offsets = [4], sizes = [1], strides = [1]} : vector<16xi32> to vector<1xi32>
      %squeeze3A_471 = vector.extract %slice3A_470[0] : i32 from vector<1xi32>
      %broadcast_in_dim3A_472 = vector.broadcast %squeeze3A_471 : i32 to vector<16xi32>
      %gather3A_473 = tpu.vector_load_idx %arg9[%iota3A, %broadcast_in_dim3A_472] : memref<16x128xf32, #tpu.memory_space<vmem>>[vector<16xi32>, vector<16xi32>], vector<16xf32>,
      %slice3A_474 = vector.extract_strided_slice %get3A_11 {offsets = [4], sizes = [1], strides = [1]} : vector<16xi32> to vector<1xi32>
      %squeeze3A_475 = vector.extract %slice3A_474[0] : i32 from vector<1xi32>
      %broadcast_in_dim3A_476 = vector.broadcast %squeeze3A_475 : i32 to vector<16xi32>
      %lt3A_477 = arith.constant 999936 : i32
      %lt3A_478 = vector.broadcast %lt3A_477 : i32 to vector<16xi32>
      %lt3A_479 = arith.cmpi slt, %broadcast_in_dim3A_476, %lt3A_478 : vector<16xi32>
      %select_n3A_480 = arith.select %lt3A_479, %gather3A_469, %gather3A_473 : vector<16xi1>, vector<16xf32>
      %mul3A_481 = arith.constant 16 : i32
      %mul3A_482 = arith.muli %scan3A_8, %mul3A_481 : i32
      %add3A_483 = arith.constant 4 : i32
      %add3A_484 = arith.addi %mul3A_482, %add3A_483 : i32
      %broadcast_in_dim3A_485 = vector.broadcast %add3A_484 : i32 to vector<16xi32>
      tpu.vector_store_idx %arg7[%iota3A, %broadcast_in_dim3A_485], %select_n3A_480 : memref<16x512xf32, #tpu.memory_space<vmem>>[vector<16xi32>, vector<16xi32>], vector<16xf32>,
      %dma_wait3A_486 = arith.constant 5 : i32
      %dma_wait3A_487 = arith.constant 0 : i32
      %dma_wait3A_488 = arith.constant 0 : i32
      %dma_wait3A_489 = tpu.memref_slice %arg8[%dma_wait3A_486, %dma_wait3A_487, %dma_wait3A_488] : memref<16x16x128xf32, #tpu.memory_space<vmem>> -> memref<1x16x128xf32, #tpu.memory_space<vmem>>
      %dma_wait3A_490 = tpu.memref_squeeze %dma_wait3A_489 : memref<1x16x128xf32, #tpu.memory_space<vmem>> -> memref<16x128xf32, #tpu.memory_space<vmem>>
      %dma_wait3A_491 = arith.constant 0 : i32
      %dma_wait3A_492 = arith.constant 0 : i32
      %dma_wait3A_493 = tpu.memref_slice %arg3[%dma_wait3A_491, %dma_wait3A_492] : memref<16x1000000xf32, #tpu.memory_space<hbm>> -> memref<16x128xf32, #tpu.memory_space<hbm>>
      %dma_wait3A_494 = arith.constant 0 : i32
      %dma_wait3A_495 = arith.constant 0 : i32
      %dma_wait3A_496 = tpu.memref_slice %arg8[%dma_wait3A_486, %dma_wait3A_494, %dma_wait3A_495] : memref<16x16x128xf32, #tpu.memory_space<vmem>> -> memref<1x16x128xf32, #tpu.memory_space<vmem>>
      %dma_wait3A_497 = tpu.memref_squeeze %dma_wait3A_496 : memref<1x16x128xf32, #tpu.memory_space<vmem>> -> memref<16x128xf32, #tpu.memory_space<vmem>>
      %dma_wait3A_498 = arith.constant 0 : i32
      %dma_wait3A_499 = arith.constant 0 : i32
      %dma_wait3A_500 = tpu.memref_slice %arg3[%dma_wait3A_498, %dma_wait3A_499] : memref<16x1000000xf32, #tpu.memory_space<hbm>> -> memref<16x128xf32, #tpu.memory_space<hbm>>
      tpu.wait_dma2 semaphore(%arg15 : memref<!tpu.dma_semaphore, #tpu.memory_space<semaphore_mem>>) src(%dma_wait3A_500 : memref<16x128xf32, #tpu.memory_space<hbm>>) dst(%dma_wait3A_497 : memref<16x128xf32, #tpu.memory_space<vmem>>)
      %slice3A_501 = vector.extract_strided_slice %and3A_17 {offsets = [5], sizes = [1], strides = [1]} : vector<16xi32> to vector<1xi32>
      %squeeze3A_502 = vector.extract %slice3A_501[0] : i32 from vector<1xi32>
      %broadcast_in_dim3A_503 = vector.broadcast %squeeze3A_502 : i32 to vector<16xi32>
      %gather3A_504 = arith.constant 5 : i32
      %gather3A_505 = arith.constant 0 : i32
      %gather3A_506 = arith.constant 0 : i32
      %gather3A_507 = tpu.memref_slice %arg8[%gather3A_504, %gather3A_505, %gather3A_506] : memref<16x16x128xf32, #tpu.memory_space<vmem>> -> memref<1x16x128xf32, #tpu.memory_space<vmem>>
      %gather3A_508 = tpu.memref_squeeze %gather3A_507 : memref<1x16x128xf32, #tpu.memory_space<vmem>> -> memref<16x128xf32, #tpu.memory_space<vmem>>
      %gather3A_509 = tpu.vector_load_idx %gather3A_508[%iota3A, %broadcast_in_dim3A_503] : memref<16x128xf32, #tpu.memory_space<vmem>>[vector<16xi32>, vector<16xi32>], vector<16xf32>,
      %slice3A_510 = vector.extract_strided_slice %max3A_21 {offsets = [5], sizes = [1], strides = [1]} : vector<16xi32> to vector<1xi32>
      %squeeze3A_511 = vector.extract %slice3A_510[0] : i32 from vector<1xi32>
      %broadcast_in_dim3A_512 = vector.broadcast %squeeze3A_511 : i32 to vector<16xi32>
      %gather3A_513 = tpu.vector_load_idx %arg9[%iota3A, %broadcast_in_dim3A_512] : memref<16x128xf32, #tpu.memory_space<vmem>>[vector<16xi32>, vector<16xi32>], vector<16xf32>,
      %slice3A_514 = vector.extract_strided_slice %get3A_11 {offsets = [5], sizes = [1], strides = [1]} : vector<16xi32> to vector<1xi32>
      %squeeze3A_515 = vector.extract %slice3A_514[0] : i32 from vector<1xi32>
      %broadcast_in_dim3A_516 = vector.broadcast %squeeze3A_515 : i32 to vector<16xi32>
      %lt3A_517 = arith.constant 999936 : i32
      %lt3A_518 = vector.broadcast %lt3A_517 : i32 to vector<16xi32>
      %lt3A_519 = arith.cmpi slt, %broadcast_in_dim3A_516, %lt3A_518 : vector<16xi32>
      %select_n3A_520 = arith.select %lt3A_519, %gather3A_509, %gather3A_513 : vector<16xi1>, vector<16xf32>
      %mul3A_521 = arith.constant 16 : i32
      %mul3A_522 = arith.muli %scan3A_8, %mul3A_521 : i32
      %add3A_523 = arith.constant 5 : i32
      %add3A_524 = arith.addi %mul3A_522, %add3A_523 : i32
      %broadcast_in_dim3A_525 = vector.broadcast %add3A_524 : i32 to vector<16xi32>
      tpu.vector_store_idx %arg7[%iota3A, %broadcast_in_dim3A_525], %select_n3A_520 : memref<16x512xf32, #tpu.memory_space<vmem>>[vector<16xi32>, vector<16xi32>], vector<16xf32>,
      %dma_wait3A_526 = arith.constant 6 : i32
      %dma_wait3A_527 = arith.constant 0 : i32
      %dma_wait3A_528 = arith.constant 0 : i32
      %dma_wait3A_529 = tpu.memref_slice %arg8[%dma_wait3A_526, %dma_wait3A_527, %dma_wait3A_528] : memref<16x16x128xf32, #tpu.memory_space<vmem>> -> memref<1x16x128xf32, #tpu.memory_space<vmem>>
      %dma_wait3A_530 = tpu.memref_squeeze %dma_wait3A_529 : memref<1x16x128xf32, #tpu.memory_space<vmem>> -> memref<16x128xf32, #tpu.memory_space<vmem>>
      %dma_wait3A_531 = arith.constant 0 : i32
      %dma_wait3A_532 = arith.constant 0 : i32
      %dma_wait3A_533 = tpu.memref_slice %arg3[%dma_wait3A_531, %dma_wait3A_532] : memref<16x1000000xf32, #tpu.memory_space<hbm>> -> memref<16x128xf32, #tpu.memory_space<hbm>>
      %dma_wait3A_534 = arith.constant 0 : i32
      %dma_wait3A_535 = arith.constant 0 : i32
      %dma_wait3A_536 = tpu.memref_slice %arg8[%dma_wait3A_526, %dma_wait3A_534, %dma_wait3A_535] : memref<16x16x128xf32, #tpu.memory_space<vmem>> -> memref<1x16x128xf32, #tpu.memory_space<vmem>>
      %dma_wait3A_537 = tpu.memref_squeeze %dma_wait3A_536 : memref<1x16x128xf32, #tpu.memory_space<vmem>> -> memref<16x128xf32, #tpu.memory_space<vmem>>
      %dma_wait3A_538 = arith.constant 0 : i32
      %dma_wait3A_539 = arith.constant 0 : i32
      %dma_wait3A_540 = tpu.memref_slice %arg3[%dma_wait3A_538, %dma_wait3A_539] : memref<16x1000000xf32, #tpu.memory_space<hbm>> -> memref<16x128xf32, #tpu.memory_space<hbm>>
      tpu.wait_dma2 semaphore(%arg16 : memref<!tpu.dma_semaphore, #tpu.memory_space<semaphore_mem>>) src(%dma_wait3A_540 : memref<16x128xf32, #tpu.memory_space<hbm>>) dst(%dma_wait3A_537 : memref<16x128xf32, #tpu.memory_space<vmem>>)
      %slice3A_541 = vector.extract_strided_slice %and3A_17 {offsets = [6], sizes = [1], strides = [1]} : vector<16xi32> to vector<1xi32>
      %squeeze3A_542 = vector.extract %slice3A_541[0] : i32 from vector<1xi32>
      %broadcast_in_dim3A_543 = vector.broadcast %squeeze3A_542 : i32 to vector<16xi32>
      %gather3A_544 = arith.constant 6 : i32
      %gather3A_545 = arith.constant 0 : i32
      %gather3A_546 = arith.constant 0 : i32
      %gather3A_547 = tpu.memref_slice %arg8[%gather3A_544, %gather3A_545, %gather3A_546] : memref<16x16x128xf32, #tpu.memory_space<vmem>> -> memref<1x16x128xf32, #tpu.memory_space<vmem>>
      %gather3A_548 = tpu.memref_squeeze %gather3A_547 : memref<1x16x128xf32, #tpu.memory_space<vmem>> -> memref<16x128xf32, #tpu.memory_space<vmem>>
      %gather3A_549 = tpu.vector_load_idx %gather3A_548[%iota3A, %broadcast_in_dim3A_543] : memref<16x128xf32, #tpu.memory_space<vmem>>[vector<16xi32>, vector<16xi32>], vector<16xf32>,
      %slice3A_550 = vector.extract_strided_slice %max3A_21 {offsets = [6], sizes = [1], strides = [1]} : vector<16xi32> to vector<1xi32>
      %squeeze3A_551 = vector.extract %slice3A_550[0] : i32 from vector<1xi32>
      %broadcast_in_dim3A_552 = vector.broadcast %squeeze3A_551 : i32 to vector<16xi32>
      %gather3A_553 = tpu.vector_load_idx %arg9[%iota3A, %broadcast_in_dim3A_552] : memref<16x128xf32, #tpu.memory_space<vmem>>[vector<16xi32>, vector<16xi32>], vector<16xf32>,
      %slice3A_554 = vector.extract_strided_slice %get3A_11 {offsets = [6], sizes = [1], strides = [1]} : vector<16xi32> to vector<1xi32>
      %squeeze3A_555 = vector.extract %slice3A_554[0] : i32 from vector<1xi32>
      %broadcast_in_dim3A_556 = vector.broadcast %squeeze3A_555 : i32 to vector<16xi32>
      %lt3A_557 = arith.constant 999936 : i32
      %lt3A_558 = vector.broadcast %lt3A_557 : i32 to vector<16xi32>
      %lt3A_559 = arith.cmpi slt, %broadcast_in_dim3A_556, %lt3A_558 : vector<16xi32>
      %select_n3A_560 = arith.select %lt3A_559, %gather3A_549, %gather3A_553 : vector<16xi1>, vector<16xf32>
      %mul3A_561 = arith.constant 16 : i32
      %mul3A_562 = arith.muli %scan3A_8, %mul3A_561 : i32
      %add3A_563 = arith.constant 6 : i32
      %add3A_564 = arith.addi %mul3A_562, %add3A_563 : i32
      %broadcast_in_dim3A_565 = vector.broadcast %add3A_564 : i32 to vector<16xi32>
      tpu.vector_store_idx %arg7[%iota3A, %broadcast_in_dim3A_565], %select_n3A_560 : memref<16x512xf32, #tpu.memory_space<vmem>>[vector<16xi32>, vector<16xi32>], vector<16xf32>,
      %dma_wait3A_566 = arith.constant 7 : i32
      %dma_wait3A_567 = arith.constant 0 : i32
      %dma_wait3A_568 = arith.constant 0 : i32
      %dma_wait3A_569 = tpu.memref_slice %arg8[%dma_wait3A_566, %dma_wait3A_567, %dma_wait3A_568] : memref<16x16x128xf32, #tpu.memory_space<vmem>> -> memref<1x16x128xf32, #tpu.memory_space<vmem>>
      %dma_wait3A_570 = tpu.memref_squeeze %dma_wait3A_569 : memref<1x16x128xf32, #tpu.memory_space<vmem>> -> memref<16x128xf32, #tpu.memory_space<vmem>>
      %dma_wait3A_571 = arith.constant 0 : i32
      %dma_wait3A_572 = arith.constant 0 : i32
      %dma_wait3A_573 = tpu.memref_slice %arg3[%dma_wait3A_571, %dma_wait3A_572] : memref<16x1000000xf32, #tpu.memory_space<hbm>> -> memref<16x128xf32, #tpu.memory_space<hbm>>
      %dma_wait3A_574 = arith.constant 0 : i32
      %dma_wait3A_575 = arith.constant 0 : i32
      %dma_wait3A_576 = tpu.memref_slice %arg8[%dma_wait3A_566, %dma_wait3A_574, %dma_wait3A_575] : memref<16x16x128xf32, #tpu.memory_space<vmem>> -> memref<1x16x128xf32, #tpu.memory_space<vmem>>
      %dma_wait3A_577 = tpu.memref_squeeze %dma_wait3A_576 : memref<1x16x128xf32, #tpu.memory_space<vmem>> -> memref<16x128xf32, #tpu.memory_space<vmem>>
      %dma_wait3A_578 = arith.constant 0 : i32
      %dma_wait3A_579 = arith.constant 0 : i32
      %dma_wait3A_580 = tpu.memref_slice %arg3[%dma_wait3A_578, %dma_wait3A_579] : memref<16x1000000xf32, #tpu.memory_space<hbm>> -> memref<16x128xf32, #tpu.memory_space<hbm>>
      tpu.wait_dma2 semaphore(%arg17 : memref<!tpu.dma_semaphore, #tpu.memory_space<semaphore_mem>>) src(%dma_wait3A_580 : memref<16x128xf32, #tpu.memory_space<hbm>>) dst(%dma_wait3A_577 : memref<16x128xf32, #tpu.memory_space<vmem>>)
      %slice3A_581 = vector.extract_strided_slice %and3A_17 {offsets = [7], sizes = [1], strides = [1]} : vector<16xi32> to vector<1xi32>
      %squeeze3A_582 = vector.extract %slice3A_581[0] : i32 from vector<1xi32>
      %broadcast_in_dim3A_583 = vector.broadcast %squeeze3A_582 : i32 to vector<16xi32>
      %gather3A_584 = arith.constant 7 : i32
      %gather3A_585 = arith.constant 0 : i32
      %gather3A_586 = arith.constant 0 : i32
      %gather3A_587 = tpu.memref_slice %arg8[%gather3A_584, %gather3A_585, %gather3A_586] : memref<16x16x128xf32, #tpu.memory_space<vmem>> -> memref<1x16x128xf32, #tpu.memory_space<vmem>>
      %gather3A_588 = tpu.memref_squeeze %gather3A_587 : memref<1x16x128xf32, #tpu.memory_space<vmem>> -> memref<16x128xf32, #tpu.memory_space<vmem>>
      %gather3A_589 = tpu.vector_load_idx %gather3A_588[%iota3A, %broadcast_in_dim3A_583] : memref<16x128xf32, #tpu.memory_space<vmem>>[vector<16xi32>, vector<16xi32>], vector<16xf32>,
      %slice3A_590 = vector.extract_strided_slice %max3A_21 {offsets = [7], sizes = [1], strides = [1]} : vector<16xi32> to vector<1xi32>
      %squeeze3A_591 = vector.extract %slice3A_590[0] : i32 from vector<1xi32>
      %broadcast_in_dim3A_592 = vector.broadcast %squeeze3A_591 : i32 to vector<16xi32>
      %gather3A_593 = tpu.vector_load_idx %arg9[%iota3A, %broadcast_in_dim3A_592] : memref<16x128xf32, #tpu.memory_space<vmem>>[vector<16xi32>, vector<16xi32>], vector<16xf32>,
      %slice3A_594 = vector.extract_strided_slice %get3A_11 {offsets = [7], sizes = [1], strides = [1]} : vector<16xi32> to vector<1xi32>
      %squeeze3A_595 = vector.extract %slice3A_594[0] : i32 from vector<1xi32>
      %broadcast_in_dim3A_596 = vector.broadcast %squeeze3A_595 : i32 to vector<16xi32>
      %lt3A_597 = arith.constant 999936 : i32
      %lt3A_598 = vector.broadcast %lt3A_597 : i32 to vector<16xi32>
      %lt3A_599 = arith.cmpi slt, %broadcast_in_dim3A_596, %lt3A_598 : vector<16xi32>
      %select_n3A_600 = arith.select %lt3A_599, %gather3A_589, %gather3A_593 : vector<16xi1>, vector<16xf32>
      %mul3A_601 = arith.constant 16 : i32
      %mul3A_602 = arith.muli %scan3A_8, %mul3A_601 : i32
      %add3A_603 = arith.constant 7 : i32
      %add3A_604 = arith.addi %mul3A_602, %add3A_603 : i32
      %broadcast_in_dim3A_605 = vector.broadcast %add3A_604 : i32 to vector<16xi32>
      tpu.vector_store_idx %arg7[%iota3A, %broadcast_in_dim3A_605], %select_n3A_600 : memref<16x512xf32, #tpu.memory_space<vmem>>[vector<16xi32>, vector<16xi32>], vector<16xf32>,
      %dma_wait3A_606 = arith.constant 8 : i32
      %dma_wait3A_607 = arith.constant 0 : i32
      %dma_wait3A_608 = arith.constant 0 : i32
      %dma_wait3A_609 = tpu.memref_slice %arg8[%dma_wait3A_606, %dma_wait3A_607, %dma_wait3A_608] : memref<16x16x128xf32, #tpu.memory_space<vmem>> -> memref<1x16x128xf32, #tpu.memory_space<vmem>>
      %dma_wait3A_610 = tpu.memref_squeeze %dma_wait3A_609 : memref<1x16x128xf32, #tpu.memory_space<vmem>> -> memref<16x128xf32, #tpu.memory_space<vmem>>
      %dma_wait3A_611 = arith.constant 0 : i32
      %dma_wait3A_612 = arith.constant 0 : i32
      %dma_wait3A_613 = tpu.memref_slice %arg3[%dma_wait3A_611, %dma_wait3A_612] : memref<16x1000000xf32, #tpu.memory_space<hbm>> -> memref<16x128xf32, #tpu.memory_space<hbm>>
      %dma_wait3A_614 = arith.constant 0 : i32
      %dma_wait3A_615 = arith.constant 0 : i32
      %dma_wait3A_616 = tpu.memref_slice %arg8[%dma_wait3A_606, %dma_wait3A_614, %dma_wait3A_615] : memref<16x16x128xf32, #tpu.memory_space<vmem>> -> memref<1x16x128xf32, #tpu.memory_space<vmem>>
      %dma_wait3A_617 = tpu.memref_squeeze %dma_wait3A_616 : memref<1x16x128xf32, #tpu.memory_space<vmem>> -> memref<16x128xf32, #tpu.memory_space<vmem>>
      %dma_wait3A_618 = arith.constant 0 : i32
      %dma_wait3A_619 = arith.constant 0 : i32
      %dma_wait3A_620 = tpu.memref_slice %arg3[%dma_wait3A_618, %dma_wait3A_619] : memref<16x1000000xf32, #tpu.memory_space<hbm>> -> memref<16x128xf32, #tpu.memory_space<hbm>>
      tpu.wait_dma2 semaphore(%arg18 : memref<!tpu.dma_semaphore, #tpu.memory_space<semaphore_mem>>) src(%dma_wait3A_620 : memref<16x128xf32, #tpu.memory_space<hbm>>) dst(%dma_wait3A_617 : memref<16x128xf32, #tpu.memory_space<vmem>>)
      %slice3A_621 = vector.extract_strided_slice %and3A_17 {offsets = [8], sizes = [1], strides = [1]} : vector<16xi32> to vector<1xi32>
      %squeeze3A_622 = vector.extract %slice3A_621[0] : i32 from vector<1xi32>
      %broadcast_in_dim3A_623 = vector.broadcast %squeeze3A_622 : i32 to vector<16xi32>
      %gather3A_624 = arith.constant 8 : i32
      %gather3A_625 = arith.constant 0 : i32
      %gather3A_626 = arith.constant 0 : i32
      %gather3A_627 = tpu.memref_slice %arg8[%gather3A_624, %gather3A_625, %gather3A_626] : memref<16x16x128xf32, #tpu.memory_space<vmem>> -> memref<1x16x128xf32, #tpu.memory_space<vmem>>
      %gather3A_628 = tpu.memref_squeeze %gather3A_627 : memref<1x16x128xf32, #tpu.memory_space<vmem>> -> memref<16x128xf32, #tpu.memory_space<vmem>>
      %gather3A_629 = tpu.vector_load_idx %gather3A_628[%iota3A, %broadcast_in_dim3A_623] : memref<16x128xf32, #tpu.memory_space<vmem>>[vector<16xi32>, vector<16xi32>], vector<16xf32>,
      %slice3A_630 = vector.extract_strided_slice %max3A_21 {offsets = [8], sizes = [1], strides = [1]} : vector<16xi32> to vector<1xi32>
      %squeeze3A_631 = vector.extract %slice3A_630[0] : i32 from vector<1xi32>
      %broadcast_in_dim3A_632 = vector.broadcast %squeeze3A_631 : i32 to vector<16xi32>
      %gather3A_633 = tpu.vector_load_idx %arg9[%iota3A, %broadcast_in_dim3A_632] : memref<16x128xf32, #tpu.memory_space<vmem>>[vector<16xi32>, vector<16xi32>], vector<16xf32>,
      %slice3A_634 = vector.extract_strided_slice %get3A_11 {offsets = [8], sizes = [1], strides = [1]} : vector<16xi32> to vector<1xi32>
      %squeeze3A_635 = vector.extract %slice3A_634[0] : i32 from vector<1xi32>
      %broadcast_in_dim3A_636 = vector.broadcast %squeeze3A_635 : i32 to vector<16xi32>
      %lt3A_637 = arith.constant 999936 : i32
      %lt3A_638 = vector.broadcast %lt3A_637 : i32 to vector<16xi32>
      %lt3A_639 = arith.cmpi slt, %broadcast_in_dim3A_636, %lt3A_638 : vector<16xi32>
      %select_n3A_640 = arith.select %lt3A_639, %gather3A_629, %gather3A_633 : vector<16xi1>, vector<16xf32>
      %mul3A_641 = arith.constant 16 : i32
      %mul3A_642 = arith.muli %scan3A_8, %mul3A_641 : i32
      %add3A_643 = arith.constant 8 : i32
      %add3A_644 = arith.addi %mul3A_642, %add3A_643 : i32
      %broadcast_in_dim3A_645 = vector.broadcast %add3A_644 : i32 to vector<16xi32>
      tpu.vector_store_idx %arg7[%iota3A, %broadcast_in_dim3A_645], %select_n3A_640 : memref<16x512xf32, #tpu.memory_space<vmem>>[vector<16xi32>, vector<16xi32>], vector<16xf32>,
      %dma_wait3A_646 = arith.constant 9 : i32
      %dma_wait3A_647 = arith.constant 0 : i32
      %dma_wait3A_648 = arith.constant 0 : i32
      %dma_wait3A_649 = tpu.memref_slice %arg8[%dma_wait3A_646, %dma_wait3A_647, %dma_wait3A_648] : memref<16x16x128xf32, #tpu.memory_space<vmem>> -> memref<1x16x128xf32, #tpu.memory_space<vmem>>
      %dma_wait3A_650 = tpu.memref_squeeze %dma_wait3A_649 : memref<1x16x128xf32, #tpu.memory_space<vmem>> -> memref<16x128xf32, #tpu.memory_space<vmem>>
      %dma_wait3A_651 = arith.constant 0 : i32
      %dma_wait3A_652 = arith.constant 0 : i32
      %dma_wait3A_653 = tpu.memref_slice %arg3[%dma_wait3A_651, %dma_wait3A_652] : memref<16x1000000xf32, #tpu.memory_space<hbm>> -> memref<16x128xf32, #tpu.memory_space<hbm>>
      %dma_wait3A_654 = arith.constant 0 : i32
      %dma_wait3A_655 = arith.constant 0 : i32
      %dma_wait3A_656 = tpu.memref_slice %arg8[%dma_wait3A_646, %dma_wait3A_654, %dma_wait3A_655] : memref<16x16x128xf32, #tpu.memory_space<vmem>> -> memref<1x16x128xf32, #tpu.memory_space<vmem>>
      %dma_wait3A_657 = tpu.memref_squeeze %dma_wait3A_656 : memref<1x16x128xf32, #tpu.memory_space<vmem>> -> memref<16x128xf32, #tpu.memory_space<vmem>>
      %dma_wait3A_658 = arith.constant 0 : i32
      %dma_wait3A_659 = arith.constant 0 : i32
      %dma_wait3A_660 = tpu.memref_slice %arg3[%dma_wait3A_658, %dma_wait3A_659] : memref<16x1000000xf32, #tpu.memory_space<hbm>> -> memref<16x128xf32, #tpu.memory_space<hbm>>
      tpu.wait_dma2 semaphore(%arg19 : memref<!tpu.dma_semaphore, #tpu.memory_space<semaphore_mem>>) src(%dma_wait3A_660 : memref<16x128xf32, #tpu.memory_space<hbm>>) dst(%dma_wait3A_657 : memref<16x128xf32, #tpu.memory_space<vmem>>)
      %slice3A_661 = vector.extract_strided_slice %and3A_17 {offsets = [9], sizes = [1], strides = [1]} : vector<16xi32> to vector<1xi32>
      %squeeze3A_662 = vector.extract %slice3A_661[0] : i32 from vector<1xi32>
      %broadcast_in_dim3A_663 = vector.broadcast %squeeze3A_662 : i32 to vector<16xi32>
      %gather3A_664 = arith.constant 9 : i32
      %gather3A_665 = arith.constant 0 : i32
      %gather3A_666 = arith.constant 0 : i32
      %gather3A_667 = tpu.memref_slice %arg8[%gather3A_664, %gather3A_665, %gather3A_666] : memref<16x16x128xf32, #tpu.memory_space<vmem>> -> memref<1x16x128xf32, #tpu.memory_space<vmem>>
      %gather3A_668 = tpu.memref_squeeze %gather3A_667 : memref<1x16x128xf32, #tpu.memory_space<vmem>> -> memref<16x128xf32, #tpu.memory_space<vmem>>
      %gather3A_669 = tpu.vector_load_idx %gather3A_668[%iota3A, %broadcast_in_dim3A_663] : memref<16x128xf32, #tpu.memory_space<vmem>>[vector<16xi32>, vector<16xi32>], vector<16xf32>,
      %slice3A_670 = vector.extract_strided_slice %max3A_21 {offsets = [9], sizes = [1], strides = [1]} : vector<16xi32> to vector<1xi32>
      %squeeze3A_671 = vector.extract %slice3A_670[0] : i32 from vector<1xi32>
      %broadcast_in_dim3A_672 = vector.broadcast %squeeze3A_671 : i32 to vector<16xi32>
      %gather3A_673 = tpu.vector_load_idx %arg9[%iota3A, %broadcast_in_dim3A_672] : memref<16x128xf32, #tpu.memory_space<vmem>>[vector<16xi32>, vector<16xi32>], vector<16xf32>,
      %slice3A_674 = vector.extract_strided_slice %get3A_11 {offsets = [9], sizes = [1], strides = [1]} : vector<16xi32> to vector<1xi32>
      %squeeze3A_675 = vector.extract %slice3A_674[0] : i32 from vector<1xi32>
      %broadcast_in_dim3A_676 = vector.broadcast %squeeze3A_675 : i32 to vector<16xi32>
      %lt3A_677 = arith.constant 999936 : i32
      %lt3A_678 = vector.broadcast %lt3A_677 : i32 to vector<16xi32>
      %lt3A_679 = arith.cmpi slt, %broadcast_in_dim3A_676, %lt3A_678 : vector<16xi32>
      %select_n3A_680 = arith.select %lt3A_679, %gather3A_669, %gather3A_673 : vector<16xi1>, vector<16xf32>
      %mul3A_681 = arith.constant 16 : i32
      %mul3A_682 = arith.muli %scan3A_8, %mul3A_681 : i32
      %add3A_683 = arith.constant 9 : i32
      %add3A_684 = arith.addi %mul3A_682, %add3A_683 : i32
      %broadcast_in_dim3A_685 = vector.broadcast %add3A_684 : i32 to vector<16xi32>
      tpu.vector_store_idx %arg7[%iota3A, %broadcast_in_dim3A_685], %select_n3A_680 : memref<16x512xf32, #tpu.memory_space<vmem>>[vector<16xi32>, vector<16xi32>], vector<16xf32>,
      %dma_wait3A_686 = arith.constant 10 : i32
      %dma_wait3A_687 = arith.constant 0 : i32
      %dma_wait3A_688 = arith.constant 0 : i32
      %dma_wait3A_689 = tpu.memref_slice %arg8[%dma_wait3A_686, %dma_wait3A_687, %dma_wait3A_688] : memref<16x16x128xf32, #tpu.memory_space<vmem>> -> memref<1x16x128xf32, #tpu.memory_space<vmem>>
      %dma_wait3A_690 = tpu.memref_squeeze %dma_wait3A_689 : memref<1x16x128xf32, #tpu.memory_space<vmem>> -> memref<16x128xf32, #tpu.memory_space<vmem>>
      %dma_wait3A_691 = arith.constant 0 : i32
      %dma_wait3A_692 = arith.constant 0 : i32
      %dma_wait3A_693 = tpu.memref_slice %arg3[%dma_wait3A_691, %dma_wait3A_692] : memref<16x1000000xf32, #tpu.memory_space<hbm>> -> memref<16x128xf32, #tpu.memory_space<hbm>>
      %dma_wait3A_694 = arith.constant 0 : i32
      %dma_wait3A_695 = arith.constant 0 : i32
      %dma_wait3A_696 = tpu.memref_slice %arg8[%dma_wait3A_686, %dma_wait3A_694, %dma_wait3A_695] : memref<16x16x128xf32, #tpu.memory_space<vmem>> -> memref<1x16x128xf32, #tpu.memory_space<vmem>>
      %dma_wait3A_697 = tpu.memref_squeeze %dma_wait3A_696 : memref<1x16x128xf32, #tpu.memory_space<vmem>> -> memref<16x128xf32, #tpu.memory_space<vmem>>
      %dma_wait3A_698 = arith.constant 0 : i32
      %dma_wait3A_699 = arith.constant 0 : i32
      %dma_wait3A_700 = tpu.memref_slice %arg3[%dma_wait3A_698, %dma_wait3A_699] : memref<16x1000000xf32, #tpu.memory_space<hbm>> -> memref<16x128xf32, #tpu.memory_space<hbm>>
      tpu.wait_dma2 semaphore(%arg20 : memref<!tpu.dma_semaphore, #tpu.memory_space<semaphore_mem>>) src(%dma_wait3A_700 : memref<16x128xf32, #tpu.memory_space<hbm>>) dst(%dma_wait3A_697 : memref<16x128xf32, #tpu.memory_space<vmem>>)
      %slice3A_701 = vector.extract_strided_slice %and3A_17 {offsets = [10], sizes = [1], strides = [1]} : vector<16xi32> to vector<1xi32>
      %squeeze3A_702 = vector.extract %slice3A_701[0] : i32 from vector<1xi32>
      %broadcast_in_dim3A_703 = vector.broadcast %squeeze3A_702 : i32 to vector<16xi32>
      %gather3A_704 = arith.constant 10 : i32
      %gather3A_705 = arith.constant 0 : i32
      %gather3A_706 = arith.constant 0 : i32
      %gather3A_707 = tpu.memref_slice %arg8[%gather3A_704, %gather3A_705, %gather3A_706] : memref<16x16x128xf32, #tpu.memory_space<vmem>> -> memref<1x16x128xf32, #tpu.memory_space<vmem>>
      %gather3A_708 = tpu.memref_squeeze %gather3A_707 : memref<1x16x128xf32, #tpu.memory_space<vmem>> -> memref<16x128xf32, #tpu.memory_space<vmem>>
      %gather3A_709 = tpu.vector_load_idx %gather3A_708[%iota3A, %broadcast_in_dim3A_703] : memref<16x128xf32, #tpu.memory_space<vmem>>[vector<16xi32>, vector<16xi32>], vector<16xf32>,
      %slice3A_710 = vector.extract_strided_slice %max3A_21 {offsets = [10], sizes = [1], strides = [1]} : vector<16xi32> to vector<1xi32>
      %squeeze3A_711 = vector.extract %slice3A_710[0] : i32 from vector<1xi32>
      %broadcast_in_dim3A_712 = vector.broadcast %squeeze3A_711 : i32 to vector<16xi32>
      %gather3A_713 = tpu.vector_load_idx %arg9[%iota3A, %broadcast_in_dim3A_712] : memref<16x128xf32, #tpu.memory_space<vmem>>[vector<16xi32>, vector<16xi32>], vector<16xf32>,
      %slice3A_714 = vector.extract_strided_slice %get3A_11 {offsets = [10], sizes = [1], strides = [1]} : vector<16xi32> to vector<1xi32>
      %squeeze3A_715 = vector.extract %slice3A_714[0] : i32 from vector<1xi32>
      %broadcast_in_dim3A_716 = vector.broadcast %squeeze3A_715 : i32 to vector<16xi32>
      %lt3A_717 = arith.constant 999936 : i32
      %lt3A_718 = vector.broadcast %lt3A_717 : i32 to vector<16xi32>
      %lt3A_719 = arith.cmpi slt, %broadcast_in_dim3A_716, %lt3A_718 : vector<16xi32>
      %select_n3A_720 = arith.select %lt3A_719, %gather3A_709, %gather3A_713 : vector<16xi1>, vector<16xf32>
      %mul3A_721 = arith.constant 16 : i32
      %mul3A_722 = arith.muli %scan3A_8, %mul3A_721 : i32
      %add3A_723 = arith.constant 10 : i32
      %add3A_724 = arith.addi %mul3A_722, %add3A_723 : i32
      %broadcast_in_dim3A_725 = vector.broadcast %add3A_724 : i32 to vector<16xi32>
      tpu.vector_store_idx %arg7[%iota3A, %broadcast_in_dim3A_725], %select_n3A_720 : memref<16x512xf32, #tpu.memory_space<vmem>>[vector<16xi32>, vector<16xi32>], vector<16xf32>,
      %dma_wait3A_726 = arith.constant 11 : i32
      %dma_wait3A_727 = arith.constant 0 : i32
      %dma_wait3A_728 = arith.constant 0 : i32
      %dma_wait3A_729 = tpu.memref_slice %arg8[%dma_wait3A_726, %dma_wait3A_727, %dma_wait3A_728] : memref<16x16x128xf32, #tpu.memory_space<vmem>> -> memref<1x16x128xf32, #tpu.memory_space<vmem>>
      %dma_wait3A_730 = tpu.memref_squeeze %dma_wait3A_729 : memref<1x16x128xf32, #tpu.memory_space<vmem>> -> memref<16x128xf32, #tpu.memory_space<vmem>>
      %dma_wait3A_731 = arith.constant 0 : i32
      %dma_wait3A_732 = arith.constant 0 : i32
      %dma_wait3A_733 = tpu.memref_slice %arg3[%dma_wait3A_731, %dma_wait3A_732] : memref<16x1000000xf32, #tpu.memory_space<hbm>> -> memref<16x128xf32, #tpu.memory_space<hbm>>
      %dma_wait3A_734 = arith.constant 0 : i32
      %dma_wait3A_735 = arith.constant 0 : i32
      %dma_wait3A_736 = tpu.memref_slice %arg8[%dma_wait3A_726, %dma_wait3A_734, %dma_wait3A_735] : memref<16x16x128xf32, #tpu.memory_space<vmem>> -> memref<1x16x128xf32, #tpu.memory_space<vmem>>
      %dma_wait3A_737 = tpu.memref_squeeze %dma_wait3A_736 : memref<1x16x128xf32, #tpu.memory_space<vmem>> -> memref<16x128xf32, #tpu.memory_space<vmem>>
      %dma_wait3A_738 = arith.constant 0 : i32
      %dma_wait3A_739 = arith.constant 0 : i32
      %dma_wait3A_740 = tpu.memref_slice %arg3[%dma_wait3A_738, %dma_wait3A_739] : memref<16x1000000xf32, #tpu.memory_space<hbm>> -> memref<16x128xf32, #tpu.memory_space<hbm>>
      tpu.wait_dma2 semaphore(%arg21 : memref<!tpu.dma_semaphore, #tpu.memory_space<semaphore_mem>>) src(%dma_wait3A_740 : memref<16x128xf32, #tpu.memory_space<hbm>>) dst(%dma_wait3A_737 : memref<16x128xf32, #tpu.memory_space<vmem>>)
      %slice3A_741 = vector.extract_strided_slice %and3A_17 {offsets = [11], sizes = [1], strides = [1]} : vector<16xi32> to vector<1xi32>
      %squeeze3A_742 = vector.extract %slice3A_741[0] : i32 from vector<1xi32>
      %broadcast_in_dim3A_743 = vector.broadcast %squeeze3A_742 : i32 to vector<16xi32>
      %gather3A_744 = arith.constant 11 : i32
      %gather3A_745 = arith.constant 0 : i32
      %gather3A_746 = arith.constant 0 : i32
      %gather3A_747 = tpu.memref_slice %arg8[%gather3A_744, %gather3A_745, %gather3A_746] : memref<16x16x128xf32, #tpu.memory_space<vmem>> -> memref<1x16x128xf32, #tpu.memory_space<vmem>>
      %gather3A_748 = tpu.memref_squeeze %gather3A_747 : memref<1x16x128xf32, #tpu.memory_space<vmem>> -> memref<16x128xf32, #tpu.memory_space<vmem>>
      %gather3A_749 = tpu.vector_load_idx %gather3A_748[%iota3A, %broadcast_in_dim3A_743] : memref<16x128xf32, #tpu.memory_space<vmem>>[vector<16xi32>, vector<16xi32>], vector<16xf32>,
      %slice3A_750 = vector.extract_strided_slice %max3A_21 {offsets = [11], sizes = [1], strides = [1]} : vector<16xi32> to vector<1xi32>
      %squeeze3A_751 = vector.extract %slice3A_750[0] : i32 from vector<1xi32>
      %broadcast_in_dim3A_752 = vector.broadcast %squeeze3A_751 : i32 to vector<16xi32>
      %gather3A_753 = tpu.vector_load_idx %arg9[%iota3A, %broadcast_in_dim3A_752] : memref<16x128xf32, #tpu.memory_space<vmem>>[vector<16xi32>, vector<16xi32>], vector<16xf32>,
      %slice3A_754 = vector.extract_strided_slice %get3A_11 {offsets = [11], sizes = [1], strides = [1]} : vector<16xi32> to vector<1xi32>
      %squeeze3A_755 = vector.extract %slice3A_754[0] : i32 from vector<1xi32>
      %broadcast_in_dim3A_756 = vector.broadcast %squeeze3A_755 : i32 to vector<16xi32>
      %lt3A_757 = arith.constant 999936 : i32
      %lt3A_758 = vector.broadcast %lt3A_757 : i32 to vector<16xi32>
      %lt3A_759 = arith.cmpi slt, %broadcast_in_dim3A_756, %lt3A_758 : vector<16xi32>
      %select_n3A_760 = arith.select %lt3A_759, %gather3A_749, %gather3A_753 : vector<16xi1>, vector<16xf32>
      %mul3A_761 = arith.constant 16 : i32
      %mul3A_762 = arith.muli %scan3A_8, %mul3A_761 : i32
      %add3A_763 = arith.constant 11 : i32
      %add3A_764 = arith.addi %mul3A_762, %add3A_763 : i32
      %broadcast_in_dim3A_765 = vector.broadcast %add3A_764 : i32 to vector<16xi32>
      tpu.vector_store_idx %arg7[%iota3A, %broadcast_in_dim3A_765], %select_n3A_760 : memref<16x512xf32, #tpu.memory_space<vmem>>[vector<16xi32>, vector<16xi32>], vector<16xf32>,
      %dma_wait3A_766 = arith.constant 12 : i32
      %dma_wait3A_767 = arith.constant 0 : i32
      %dma_wait3A_768 = arith.constant 0 : i32
      %dma_wait3A_769 = tpu.memref_slice %arg8[%dma_wait3A_766, %dma_wait3A_767, %dma_wait3A_768] : memref<16x16x128xf32, #tpu.memory_space<vmem>> -> memref<1x16x128xf32, #tpu.memory_space<vmem>>
      %dma_wait3A_770 = tpu.memref_squeeze %dma_wait3A_769 : memref<1x16x128xf32, #tpu.memory_space<vmem>> -> memref<16x128xf32, #tpu.memory_space<vmem>>
      %dma_wait3A_771 = arith.constant 0 : i32
      %dma_wait3A_772 = arith.constant 0 : i32
      %dma_wait3A_773 = tpu.memref_slice %arg3[%dma_wait3A_771, %dma_wait3A_772] : memref<16x1000000xf32, #tpu.memory_space<hbm>> -> memref<16x128xf32, #tpu.memory_space<hbm>>
      %dma_wait3A_774 = arith.constant 0 : i32
      %dma_wait3A_775 = arith.constant 0 : i32
      %dma_wait3A_776 = tpu.memref_slice %arg8[%dma_wait3A_766, %dma_wait3A_774, %dma_wait3A_775] : memref<16x16x128xf32, #tpu.memory_space<vmem>> -> memref<1x16x128xf32, #tpu.memory_space<vmem>>
      %dma_wait3A_777 = tpu.memref_squeeze %dma_wait3A_776 : memref<1x16x128xf32, #tpu.memory_space<vmem>> -> memref<16x128xf32, #tpu.memory_space<vmem>>
      %dma_wait3A_778 = arith.constant 0 : i32
      %dma_wait3A_779 = arith.constant 0 : i32
      %dma_wait3A_780 = tpu.memref_slice %arg3[%dma_wait3A_778, %dma_wait3A_779] : memref<16x1000000xf32, #tpu.memory_space<hbm>> -> memref<16x128xf32, #tpu.memory_space<hbm>>
      tpu.wait_dma2 semaphore(%arg22 : memref<!tpu.dma_semaphore, #tpu.memory_space<semaphore_mem>>) src(%dma_wait3A_780 : memref<16x128xf32, #tpu.memory_space<hbm>>) dst(%dma_wait3A_777 : memref<16x128xf32, #tpu.memory_space<vmem>>)
      %slice3A_781 = vector.extract_strided_slice %and3A_17 {offsets = [12], sizes = [1], strides = [1]} : vector<16xi32> to vector<1xi32>
      %squeeze3A_782 = vector.extract %slice3A_781[0] : i32 from vector<1xi32>
      %broadcast_in_dim3A_783 = vector.broadcast %squeeze3A_782 : i32 to vector<16xi32>
      %gather3A_784 = arith.constant 12 : i32
      %gather3A_785 = arith.constant 0 : i32
      %gather3A_786 = arith.constant 0 : i32
      %gather3A_787 = tpu.memref_slice %arg8[%gather3A_784, %gather3A_785, %gather3A_786] : memref<16x16x128xf32, #tpu.memory_space<vmem>> -> memref<1x16x128xf32, #tpu.memory_space<vmem>>
      %gather3A_788 = tpu.memref_squeeze %gather3A_787 : memref<1x16x128xf32, #tpu.memory_space<vmem>> -> memref<16x128xf32, #tpu.memory_space<vmem>>
      %gather3A_789 = tpu.vector_load_idx %gather3A_788[%iota3A, %broadcast_in_dim3A_783] : memref<16x128xf32, #tpu.memory_space<vmem>>[vector<16xi32>, vector<16xi32>], vector<16xf32>,
      %slice3A_790 = vector.extract_strided_slice %max3A_21 {offsets = [12], sizes = [1], strides = [1]} : vector<16xi32> to vector<1xi32>
      %squeeze3A_791 = vector.extract %slice3A_790[0] : i32 from vector<1xi32>
      %broadcast_in_dim3A_792 = vector.broadcast %squeeze3A_791 : i32 to vector<16xi32>
      %gather3A_793 = tpu.vector_load_idx %arg9[%iota3A, %broadcast_in_dim3A_792] : memref<16x128xf32, #tpu.memory_space<vmem>>[vector<16xi32>, vector<16xi32>], vector<16xf32>,
      %slice3A_794 = vector.extract_strided_slice %get3A_11 {offsets = [12], sizes = [1], strides = [1]} : vector<16xi32> to vector<1xi32>
      %squeeze3A_795 = vector.extract %slice3A_794[0] : i32 from vector<1xi32>
      %broadcast_in_dim3A_796 = vector.broadcast %squeeze3A_795 : i32 to vector<16xi32>
      %lt3A_797 = arith.constant 999936 : i32
      %lt3A_798 = vector.broadcast %lt3A_797 : i32 to vector<16xi32>
      %lt3A_799 = arith.cmpi slt, %broadcast_in_dim3A_796, %lt3A_798 : vector<16xi32>
      %select_n3A_800 = arith.select %lt3A_799, %gather3A_789, %gather3A_793 : vector<16xi1>, vector<16xf32>
      %mul3A_801 = arith.constant 16 : i32
      %mul3A_802 = arith.muli %scan3A_8, %mul3A_801 : i32
      %add3A_803 = arith.constant 12 : i32
      %add3A_804 = arith.addi %mul3A_802, %add3A_803 : i32
      %broadcast_in_dim3A_805 = vector.broadcast %add3A_804 : i32 to vector<16xi32>
      tpu.vector_store_idx %arg7[%iota3A, %broadcast_in_dim3A_805], %select_n3A_800 : memref<16x512xf32, #tpu.memory_space<vmem>>[vector<16xi32>, vector<16xi32>], vector<16xf32>,
      %dma_wait3A_806 = arith.constant 13 : i32
      %dma_wait3A_807 = arith.constant 0 : i32
      %dma_wait3A_808 = arith.constant 0 : i32
      %dma_wait3A_809 = tpu.memref_slice %arg8[%dma_wait3A_806, %dma_wait3A_807, %dma_wait3A_808] : memref<16x16x128xf32, #tpu.memory_space<vmem>> -> memref<1x16x128xf32, #tpu.memory_space<vmem>>
      %dma_wait3A_810 = tpu.memref_squeeze %dma_wait3A_809 : memref<1x16x128xf32, #tpu.memory_space<vmem>> -> memref<16x128xf32, #tpu.memory_space<vmem>>
      %dma_wait3A_811 = arith.constant 0 : i32
      %dma_wait3A_812 = arith.constant 0 : i32
      %dma_wait3A_813 = tpu.memref_slice %arg3[%dma_wait3A_811, %dma_wait3A_812] : memref<16x1000000xf32, #tpu.memory_space<hbm>> -> memref<16x128xf32, #tpu.memory_space<hbm>>
      %dma_wait3A_814 = arith.constant 0 : i32
      %dma_wait3A_815 = arith.constant 0 : i32
      %dma_wait3A_816 = tpu.memref_slice %arg8[%dma_wait3A_806, %dma_wait3A_814, %dma_wait3A_815] : memref<16x16x128xf32, #tpu.memory_space<vmem>> -> memref<1x16x128xf32, #tpu.memory_space<vmem>>
      %dma_wait3A_817 = tpu.memref_squeeze %dma_wait3A_816 : memref<1x16x128xf32, #tpu.memory_space<vmem>> -> memref<16x128xf32, #tpu.memory_space<vmem>>
      %dma_wait3A_818 = arith.constant 0 : i32
      %dma_wait3A_819 = arith.constant 0 : i32
      %dma_wait3A_820 = tpu.memref_slice %arg3[%dma_wait3A_818, %dma_wait3A_819] : memref<16x1000000xf32, #tpu.memory_space<hbm>> -> memref<16x128xf32, #tpu.memory_space<hbm>>
      tpu.wait_dma2 semaphore(%arg23 : memref<!tpu.dma_semaphore, #tpu.memory_space<semaphore_mem>>) src(%dma_wait3A_820 : memref<16x128xf32, #tpu.memory_space<hbm>>) dst(%dma_wait3A_817 : memref<16x128xf32, #tpu.memory_space<vmem>>)
      %slice3A_821 = vector.extract_strided_slice %and3A_17 {offsets = [13], sizes = [1], strides = [1]} : vector<16xi32> to vector<1xi32>
      %squeeze3A_822 = vector.extract %slice3A_821[0] : i32 from vector<1xi32>
      %broadcast_in_dim3A_823 = vector.broadcast %squeeze3A_822 : i32 to vector<16xi32>
      %gather3A_824 = arith.constant 13 : i32
      %gather3A_825 = arith.constant 0 : i32
      %gather3A_826 = arith.constant 0 : i32
      %gather3A_827 = tpu.memref_slice %arg8[%gather3A_824, %gather3A_825, %gather3A_826] : memref<16x16x128xf32, #tpu.memory_space<vmem>> -> memref<1x16x128xf32, #tpu.memory_space<vmem>>
      %gather3A_828 = tpu.memref_squeeze %gather3A_827 : memref<1x16x128xf32, #tpu.memory_space<vmem>> -> memref<16x128xf32, #tpu.memory_space<vmem>>
      %gather3A_829 = tpu.vector_load_idx %gather3A_828[%iota3A, %broadcast_in_dim3A_823] : memref<16x128xf32, #tpu.memory_space<vmem>>[vector<16xi32>, vector<16xi32>], vector<16xf32>,
      %slice3A_830 = vector.extract_strided_slice %max3A_21 {offsets = [13], sizes = [1], strides = [1]} : vector<16xi32> to vector<1xi32>
      %squeeze3A_831 = vector.extract %slice3A_830[0] : i32 from vector<1xi32>
      %broadcast_in_dim3A_832 = vector.broadcast %squeeze3A_831 : i32 to vector<16xi32>
      %gather3A_833 = tpu.vector_load_idx %arg9[%iota3A, %broadcast_in_dim3A_832] : memref<16x128xf32, #tpu.memory_space<vmem>>[vector<16xi32>, vector<16xi32>], vector<16xf32>,
      %slice3A_834 = vector.extract_strided_slice %get3A_11 {offsets = [13], sizes = [1], strides = [1]} : vector<16xi32> to vector<1xi32>
      %squeeze3A_835 = vector.extract %slice3A_834[0] : i32 from vector<1xi32>
      %broadcast_in_dim3A_836 = vector.broadcast %squeeze3A_835 : i32 to vector<16xi32>
      %lt3A_837 = arith.constant 999936 : i32
      %lt3A_838 = vector.broadcast %lt3A_837 : i32 to vector<16xi32>
      %lt3A_839 = arith.cmpi slt, %broadcast_in_dim3A_836, %lt3A_838 : vector<16xi32>
      %select_n3A_840 = arith.select %lt3A_839, %gather3A_829, %gather3A_833 : vector<16xi1>, vector<16xf32>
      %mul3A_841 = arith.constant 16 : i32
      %mul3A_842 = arith.muli %scan3A_8, %mul3A_841 : i32
      %add3A_843 = arith.constant 13 : i32
      %add3A_844 = arith.addi %mul3A_842, %add3A_843 : i32
      %broadcast_in_dim3A_845 = vector.broadcast %add3A_844 : i32 to vector<16xi32>
      tpu.vector_store_idx %arg7[%iota3A, %broadcast_in_dim3A_845], %select_n3A_840 : memref<16x512xf32, #tpu.memory_space<vmem>>[vector<16xi32>, vector<16xi32>], vector<16xf32>,
      %dma_wait3A_846 = arith.constant 14 : i32
      %dma_wait3A_847 = arith.constant 0 : i32
      %dma_wait3A_848 = arith.constant 0 : i32
      %dma_wait3A_849 = tpu.memref_slice %arg8[%dma_wait3A_846, %dma_wait3A_847, %dma_wait3A_848] : memref<16x16x128xf32, #tpu.memory_space<vmem>> -> memref<1x16x128xf32, #tpu.memory_space<vmem>>
      %dma_wait3A_850 = tpu.memref_squeeze %dma_wait3A_849 : memref<1x16x128xf32, #tpu.memory_space<vmem>> -> memref<16x128xf32, #tpu.memory_space<vmem>>
      %dma_wait3A_851 = arith.constant 0 : i32
      %dma_wait3A_852 = arith.constant 0 : i32
      %dma_wait3A_853 = tpu.memref_slice %arg3[%dma_wait3A_851, %dma_wait3A_852] : memref<16x1000000xf32, #tpu.memory_space<hbm>> -> memref<16x128xf32, #tpu.memory_space<hbm>>
      %dma_wait3A_854 = arith.constant 0 : i32
      %dma_wait3A_855 = arith.constant 0 : i32
      %dma_wait3A_856 = tpu.memref_slice %arg8[%dma_wait3A_846, %dma_wait3A_854, %dma_wait3A_855] : memref<16x16x128xf32, #tpu.memory_space<vmem>> -> memref<1x16x128xf32, #tpu.memory_space<vmem>>
      %dma_wait3A_857 = tpu.memref_squeeze %dma_wait3A_856 : memref<1x16x128xf32, #tpu.memory_space<vmem>> -> memref<16x128xf32, #tpu.memory_space<vmem>>
      %dma_wait3A_858 = arith.constant 0 : i32
      %dma_wait3A_859 = arith.constant 0 : i32
      %dma_wait3A_860 = tpu.memref_slice %arg3[%dma_wait3A_858, %dma_wait3A_859] : memref<16x1000000xf32, #tpu.memory_space<hbm>> -> memref<16x128xf32, #tpu.memory_space<hbm>>
      tpu.wait_dma2 semaphore(%arg24 : memref<!tpu.dma_semaphore, #tpu.memory_space<semaphore_mem>>) src(%dma_wait3A_860 : memref<16x128xf32, #tpu.memory_space<hbm>>) dst(%dma_wait3A_857 : memref<16x128xf32, #tpu.memory_space<vmem>>)
      %slice3A_861 = vector.extract_strided_slice %and3A_17 {offsets = [14], sizes = [1], strides = [1]} : vector<16xi32> to vector<1xi32>
      %squeeze3A_862 = vector.extract %slice3A_861[0] : i32 from vector<1xi32>
      %broadcast_in_dim3A_863 = vector.broadcast %squeeze3A_862 : i32 to vector<16xi32>
      %gather3A_864 = arith.constant 14 : i32
      %gather3A_865 = arith.constant 0 : i32
      %gather3A_866 = arith.constant 0 : i32
      %gather3A_867 = tpu.memref_slice %arg8[%gather3A_864, %gather3A_865, %gather3A_866] : memref<16x16x128xf32, #tpu.memory_space<vmem>> -> memref<1x16x128xf32, #tpu.memory_space<vmem>>
      %gather3A_868 = tpu.memref_squeeze %gather3A_867 : memref<1x16x128xf32, #tpu.memory_space<vmem>> -> memref<16x128xf32, #tpu.memory_space<vmem>>
      %gather3A_869 = tpu.vector_load_idx %gather3A_868[%iota3A, %broadcast_in_dim3A_863] : memref<16x128xf32, #tpu.memory_space<vmem>>[vector<16xi32>, vector<16xi32>], vector<16xf32>,
      %slice3A_870 = vector.extract_strided_slice %max3A_21 {offsets = [14], sizes = [1], strides = [1]} : vector<16xi32> to vector<1xi32>
      %squeeze3A_871 = vector.extract %slice3A_870[0] : i32 from vector<1xi32>
      %broadcast_in_dim3A_872 = vector.broadcast %squeeze3A_871 : i32 to vector<16xi32>
      %gather3A_873 = tpu.vector_load_idx %arg9[%iota3A, %broadcast_in_dim3A_872] : memref<16x128xf32, #tpu.memory_space<vmem>>[vector<16xi32>, vector<16xi32>], vector<16xf32>,
      %slice3A_874 = vector.extract_strided_slice %get3A_11 {offsets = [14], sizes = [1], strides = [1]} : vector<16xi32> to vector<1xi32>
      %squeeze3A_875 = vector.extract %slice3A_874[0] : i32 from vector<1xi32>
      %broadcast_in_dim3A_876 = vector.broadcast %squeeze3A_875 : i32 to vector<16xi32>
      %lt3A_877 = arith.constant 999936 : i32
      %lt3A_878 = vector.broadcast %lt3A_877 : i32 to vector<16xi32>
      %lt3A_879 = arith.cmpi slt, %broadcast_in_dim3A_876, %lt3A_878 : vector<16xi32>
      %select_n3A_880 = arith.select %lt3A_879, %gather3A_869, %gather3A_873 : vector<16xi1>, vector<16xf32>
      %mul3A_881 = arith.constant 16 : i32
      %mul3A_882 = arith.muli %scan3A_8, %mul3A_881 : i32
      %add3A_883 = arith.constant 14 : i32
      %add3A_884 = arith.addi %mul3A_882, %add3A_883 : i32
      %broadcast_in_dim3A_885 = vector.broadcast %add3A_884 : i32 to vector<16xi32>
      tpu.vector_store_idx %arg7[%iota3A, %broadcast_in_dim3A_885], %select_n3A_880 : memref<16x512xf32, #tpu.memory_space<vmem>>[vector<16xi32>, vector<16xi32>], vector<16xf32>,
      %dma_wait3A_886 = arith.constant 15 : i32
      %dma_wait3A_887 = arith.constant 0 : i32
      %dma_wait3A_888 = arith.constant 0 : i32
      %dma_wait3A_889 = tpu.memref_slice %arg8[%dma_wait3A_886, %dma_wait3A_887, %dma_wait3A_888] : memref<16x16x128xf32, #tpu.memory_space<vmem>> -> memref<1x16x128xf32, #tpu.memory_space<vmem>>
      %dma_wait3A_890 = tpu.memref_squeeze %dma_wait3A_889 : memref<1x16x128xf32, #tpu.memory_space<vmem>> -> memref<16x128xf32, #tpu.memory_space<vmem>>
      %dma_wait3A_891 = arith.constant 0 : i32
      %dma_wait3A_892 = arith.constant 0 : i32
      %dma_wait3A_893 = tpu.memref_slice %arg3[%dma_wait3A_891, %dma_wait3A_892] : memref<16x1000000xf32, #tpu.memory_space<hbm>> -> memref<16x128xf32, #tpu.memory_space<hbm>>
      %dma_wait3A_894 = arith.constant 0 : i32
      %dma_wait3A_895 = arith.constant 0 : i32
      %dma_wait3A_896 = tpu.memref_slice %arg8[%dma_wait3A_886, %dma_wait3A_894, %dma_wait3A_895] : memref<16x16x128xf32, #tpu.memory_space<vmem>> -> memref<1x16x128xf32, #tpu.memory_space<vmem>>
      %dma_wait3A_897 = tpu.memref_squeeze %dma_wait3A_896 : memref<1x16x128xf32, #tpu.memory_space<vmem>> -> memref<16x128xf32, #tpu.memory_space<vmem>>
      %dma_wait3A_898 = arith.constant 0 : i32
      %dma_wait3A_899 = arith.constant 0 : i32
      %dma_wait3A_900 = tpu.memref_slice %arg3[%dma_wait3A_898, %dma_wait3A_899] : memref<16x1000000xf32, #tpu.memory_space<hbm>> -> memref<16x128xf32, #tpu.memory_space<hbm>>
      tpu.wait_dma2 semaphore(%arg25 : memref<!tpu.dma_semaphore, #tpu.memory_space<semaphore_mem>>) src(%dma_wait3A_900 : memref<16x128xf32, #tpu.memory_space<hbm>>) dst(%dma_wait3A_897 : memref<16x128xf32, #tpu.memory_space<vmem>>)
      %slice3A_901 = vector.extract_strided_slice %and3A_17 {offsets = [15], sizes = [1], strides = [1]} : vector<16xi32> to vector<1xi32>
      %squeeze3A_902 = vector.extract %slice3A_901[0] : i32 from vector<1xi32>
      %broadcast_in_dim3A_903 = vector.broadcast %squeeze3A_902 : i32 to vector<16xi32>
      %gather3A_904 = arith.constant 15 : i32
      %gather3A_905 = arith.constant 0 : i32
      %gather3A_906 = arith.constant 0 : i32
      %gather3A_907 = tpu.memref_slice %arg8[%gather3A_904, %gather3A_905, %gather3A_906] : memref<16x16x128xf32, #tpu.memory_space<vmem>> -> memref<1x16x128xf32, #tpu.memory_space<vmem>>
      %gather3A_908 = tpu.memref_squeeze %gather3A_907 : memref<1x16x128xf32, #tpu.memory_space<vmem>> -> memref<16x128xf32, #tpu.memory_space<vmem>>
      %gather3A_909 = tpu.vector_load_idx %gather3A_908[%iota3A, %broadcast_in_dim3A_903] : memref<16x128xf32, #tpu.memory_space<vmem>>[vector<16xi32>, vector<16xi32>], vector<16xf32>,
      %slice3A_910 = vector.extract_strided_slice %max3A_21 {offsets = [15], sizes = [1], strides = [1]} : vector<16xi32> to vector<1xi32>
      %squeeze3A_911 = vector.extract %slice3A_910[0] : i32 from vector<1xi32>
      %broadcast_in_dim3A_912 = vector.broadcast %squeeze3A_911 : i32 to vector<16xi32>
      %gather3A_913 = tpu.vector_load_idx %arg9[%iota3A, %broadcast_in_dim3A_912] : memref<16x128xf32, #tpu.memory_space<vmem>>[vector<16xi32>, vector<16xi32>], vector<16xf32>,
      %slice3A_914 = vector.extract_strided_slice %get3A_11 {offsets = [15], sizes = [1], strides = [1]} : vector<16xi32> to vector<1xi32>
      %squeeze3A_915 = vector.extract %slice3A_914[0] : i32 from vector<1xi32>
      %broadcast_in_dim3A_916 = vector.broadcast %squeeze3A_915 : i32 to vector<16xi32>
      %lt3A_917 = arith.constant 999936 : i32
      %lt3A_918 = vector.broadcast %lt3A_917 : i32 to vector<16xi32>
      %lt3A_919 = arith.cmpi slt, %broadcast_in_dim3A_916, %lt3A_918 : vector<16xi32>
      %select_n3A_920 = arith.select %lt3A_919, %gather3A_909, %gather3A_913 : vector<16xi1>, vector<16xf32>
      %mul3A_921 = arith.constant 16 : i32
      %mul3A_922 = arith.muli %scan3A_8, %mul3A_921 : i32
      %add3A_923 = arith.constant 15 : i32
      %add3A_924 = arith.addi %mul3A_922, %add3A_923 : i32
      %broadcast_in_dim3A_925 = vector.broadcast %add3A_924 : i32 to vector<16xi32>
      tpu.vector_store_idx %arg7[%iota3A, %broadcast_in_dim3A_925], %select_n3A_920 : memref<16x512xf32, #tpu.memory_space<vmem>>[vector<16xi32>, vector<16xi32>], vector<16xf32>,
    }
    %scan3A_7 = arith.constant 32 : i32
    "tpu.region"() ({
      %run_scoped3A = tpu.sem_alloc : memref<!tpu.dma_semaphore, #tpu.memory_space<semaphore_mem>>
      %dma_start3A = arith.constant 0 : i32
      %dma_start3A_8 = tpu.memref_slice %arg5[%dma_start3A, %mul3A_2] : memref<16x16384xf32, #tpu.memory_space<hbm>> -> memref<16x512xf32, #tpu.memory_space<hbm>>
      %dma_start3A_9 = arith.constant 0 : i32
      %dma_start3A_10 = tpu.memref_slice %arg5[%dma_start3A_9, %mul3A_2] : memref<16x16384xf32, #tpu.memory_space<hbm>> -> memref<16x512xf32, #tpu.memory_space<hbm>>
      tpu.enqueue_dma source(%arg7 : memref<16x512xf32, #tpu.memory_space<vmem>>) target(%dma_start3A_10 : memref<16x512xf32, #tpu.memory_space<hbm>>) target_semaphore(%run_scoped3A : memref<!tpu.dma_semaphore, #tpu.memory_space<semaphore_mem>>)
      %dma_wait3A = arith.constant 0 : i32
      %dma_wait3A_11 = tpu.memref_slice %arg5[%dma_wait3A, %mul3A_2] : memref<16x16384xf32, #tpu.memory_space<hbm>> -> memref<16x512xf32, #tpu.memory_space<hbm>>
      %dma_wait3A_12 = arith.constant 0 : i32
      %dma_wait3A_13 = tpu.memref_slice %arg5[%dma_wait3A_12, %mul3A_2] : memref<16x16384xf32, #tpu.memory_space<hbm>> -> memref<16x512xf32, #tpu.memory_space<hbm>>
      tpu.wait_dma2 semaphore(%run_scoped3A : memref<!tpu.dma_semaphore, #tpu.memory_space<semaphore_mem>>) src(%arg7 : memref<16x512xf32, #tpu.memory_space<vmem>>) dst(%dma_wait3A_13 : memref<16x512xf32, #tpu.memory_space<hbm>>)
      tpu.yield
    }) : () -> ()
    return
  }
}

</mosaic_0001>

<sc_bundles>
// kernel: kernel.3.cloned.1.call-start
scs
__scs_entry_jumppad:
0x0: {  	(pc) =	sbr.rel $0x88, $3  }
0x1: {  	(tag) =	ssettag $0x0;
	lr =	simm.s32 $0x1  }
0x2: {  	[smem:$0x3F9F] =	sst lr;
	_ =	strace $0xD0000000  }
0x3: {  	_ = 	snop  }
0x4: {  	_ = 	snop  }
0x5: {  	_ = 	snop  }
0x6: {  	_ = 	snop  }
0x7: {  	_ = 	snop  }
__scs_overlays_trampoline_lowered:
0x8: {  	[smem:$0x3FAE] =	sst s0  }
0x9: {  	[smem:$0x3FAF] =	sst s1  }
0xa: {  	[smem:$0x3FB0] =	sst s2  }
0xb: {  	[smem:$0x3FB1] =	sst s3  }
0xc: {  	[smem:$0x3FB2] =	sst s4  }
0xd: {  	[smem:$0x3FB3] =	sst s5  }
0xe: {  	[smem:$0x3FB4] =	sst s6  }
0xf: {  	[smem:$0x3FB5] =	sst s7  }
0x10: {  	[smem:$0x3FB6] =	sst s8  }
0x11: {  	[smem:$0x3FB7] =	sst s9;
	s0 =	simm.s32 @!p0 $0x0  }
0x12: {  	s1 =	sld [smem:$0x3F9D];
	s0 =	simm.s32 @p0 $0x1  }
0x13: {  	[smem:$0x3FB8] =	sst s0;
	s0 =	simm.s32 @!p1 $0x0  }
0x14: {  	s2 =	sld [smem:$0x3F9C];
	s0 =	simm.s32 @p1 $0x1  }
0x15: {  	[smem:$0x3FB9] =	sst s0;
	s0 =	simm.s32 @!p2 $0x0  }
0x16: {  	s3 =	sld [smem:$0x3FDB];
	s0 =	simm.s32 @p2 $0x1  }
0x17: {  	s4 =	simm.s32 $0x1BF5;
	[smem:$0x3FBB] =	sst s0  }
0x18: {  	s0 =	sld [smem:$0x3F9E];
	_ =	swait.ge [sflag:s4], $0x0  }
0x19: {  	s7 =	sld [smem:$0x3F9F]  }
0x1a: {  	s8 =	sadd.s32 $0xFFFFE003, lr  }
0x1b: {  	s9 =	sadd.s32 $0xFFFFFEF7, lr;
	s5 =	simm.s32 $0xFFFFFFFF;
	p2 =	slt.u32 s8, $0xFFFFF086  }
0x1c: {  	p1 =	slt.u32 s9, $0xF7A;
	s5 =	simm.s32 @!p2 $0x0  }
0x1d: {  	s5 =	simm.s32 @p1 $0x1;
	p0 =	seq.s32 s7, s2  }
0x1e: {  	s7 =	smul.u32 @!p0 $0xF7A, s2;
	p2 =	seq.s32 @!p0 s5, $0x0  }
0x1f: {  	s9 =	smul.u32 $0xF7A, s1;
	s8 =	simm.s32 @!p0 $0x1BF5;
	p2 =	por !p2, p0  }
0x20: {  	[sflag:s8] =	ssyncset.s32 @!p0 $0xFFFFF086;
	s6 =	sadd.s32 @!p0 s3, s7;
	s7 =	simm.s32 @!p0 $0x108  }
0x21: {  	s3 =	sadd.s32 s3, s9;
	s6 =	sadd.s32 @!p0 $0x88, s6;
	s7 =	simm.s32 @p2 $0x1082  }
0x22: {  	[simem:s7], [sflag:s8] =	dma.local @!p0 [hbm:s6], $0xF7A  }
0x23: {  	s9 =	sor.u32 $0xD0000000, s2;
	s6 =	simm.s32 $0x108;
	_ =	swait.ge @!p0 [sflag:s8], $0x0  }
0x24: {  	s3 =	sadd.s32 $0x88, s3;
	s6 =	simm.s32 @!p1 $0x1082;
	[sflag:s4] =	ssyncset.s32 $0xFFFFF086  }
0x25: {  	[simem:s6], [sflag:s4] =	dma.local [hbm:s3], $0xF7A  }
0x26: {  	[smem:$0x3F9F] =	sst s1;
	(tag) =	ssettag s2;
	_ =	strace s9  }
0x27: {  	s1 =	sld [smem:$0x3FAF]  }
0x28: {  	s2 =	sld [smem:$0x3FB0]  }
0x29: {  	s4 =	sld [smem:$0x3FB2]  }
0x2a: {  	p0 =	seq.s32 s5, $0x0;
	s5 =	sld [smem:$0x3FB3]  }
0x2b: {  	s6 =	sld [smem:$0x3FB4]  }
0x2c: {  	s7 =	sld [smem:$0x3FB5]  }
0x2d: {  	s3 =	simm.s32 $0x108;
	s8 =	sld [smem:$0x3FB6]  }
0x2e: {  	s3 =	simm.s32 @!p0 $0x1082;
	s9 =	sld [smem:$0x3FB7]  }
0x2f: {  	lr =	sadd.s32 s0, s3;
	s0 =	sld [smem:$0x3FAE]  }
0x30: {  	s3 =	sld [smem:$0x3FB1]  }
0x31: {  	[smem:$0x3FBA] =	sst s10  }
0x32: {  	s10 =	sld [smem:$0x3FB8];
	_ =	sdelay $0x3  }
0x33: {  	p0 =	seq.s32 s10, $0x1;
	s10 =	sld [smem:$0x3FBA];
	_ =	sdelay $0x3  }
0x34: {  	[smem:$0x3FBA] =	sst s10  }
0x35: {  	s10 =	sld [smem:$0x3FB9];
	_ =	sdelay $0x3  }
0x36: {  	p1 =	seq.s32 s10, $0x1;
	s10 =	sld [smem:$0x3FBA];
	_ =	sdelay $0x3  }
0x37: {  	[smem:$0x3FBA] =	sst s10  }
0x38: {  	s10 =	sld [smem:$0x3FBB]  }
0x39: {  	_ = 	snop;
	(pc) =	sbr.ind lr, $3  }
0x3a: {  	_ = 	snop  }
0x3b: {  	_ = 	snop  }
0x3c: {  	p2 =	seq.s32 s10, $0x1;
	s10 =	sld [smem:$0x3FBA]  }
0x3d: {  	_ =	shalt  }
0x3e: {  	_ =	shalt  }
0x3f: {  	_ =	shalt  }
0x40: {  	_ =	shalt  }
0x41: {  	_ =	shalt  }
0x42: {  	_ =	shalt  }
0x43: {  	_ =	shalt  }
0x44: {  	_ =	shalt  }
0x45: {  	_ =	shalt  }
0x46: {  	_ =	shalt  }
0x47: {  	_ =	shalt  }
0x48: {  	_ =	shalt  }
0x49: {  	_ =	shalt  }
0x4a: {  	_ =	shalt  }
0x4b: {  	_ =	shalt  }
0x4c: {  	_ =	shalt  }
0x4d: {  	_ =	shalt  }
0x4e: {  	_ =	shalt  }
0x4f: {  	_ =	shalt  }
0x50: {  	_ =	shalt  }
0x51: {  	_ =	shalt  }
0x52: {  	_ =	shalt  }
0x53: {  	_ =	shalt  }
0x54: {  	_ =	shalt  }
0x55: {  	_ =	shalt  }
0x56: {  	_ =	shalt  }
0x57: {  	_ =	shalt  }
0x58: {  	_ =	shalt  }
0x59: {  	_ =	shalt  }
0x5a: {  	_ =	shalt  }
0x5b: {  	_ =	shalt  }
0x5c: {  	_ =	shalt  }
0x5d: {  	_ =	shalt  }
0x5e: {  	_ =	shalt  }
0x5f: {  	_ =	shalt  }
0x60: {  	_ =	shalt  }
0x61: {  	_ =	shalt  }
0x62: {  	_ =	shalt  }
0x63: {  	_ =	shalt  }
0x64: {  	_ =	shalt  }
0x65: {  	_ =	shalt  }
0x66: {  	_ =	shalt  }
0x67: {  	_ =	shalt  }
0x68: {  	_ =	shalt  }
0x69: {  	_ =	shalt  }
0x6a: {  	_ =	shalt  }
0x6b: {  	_ =	shalt  }
0x6c: {  	_ =	shalt  }
0x6d: {  	_ =	shalt  }
0x6e: {  	_ =	shalt  }
0x6f: {  	_ =	shalt  }
0x70: {  	_ =	shalt  }
0x71: {  	_ =	shalt  }
0x72: {  	_ =	shalt  }
0x73: {  	_ =	shalt  }
0x74: {  	_ =	shalt  }
0x75: {  	_ =	shalt  }
0x76: {  	_ =	shalt  }
0x77: {  	_ =	shalt  }
0x78: {  	_ =	shalt  }
0x79: {  	_ =	shalt  }
0x7a: {  	_ =	shalt  }
0x7b: {  	_ =	shalt  }
0x7c: {  	_ =	shalt  }
0x7d: {  	_ =	shalt  }
0x7e: {  	_ =	shalt  }
0x7f: {  	_ =	shalt  }
0x80: {  	_ =	shalt  }
0x81: {  	_ =	shalt  }
0x82: {  	_ =	shalt  }
0x83: {  	_ =	shalt  }
0x84: {  	_ =	shalt  }
0x85: {  	_ =	shalt  }
0x86: {  	_ =	shalt  }
0x87: {  	_ =	shalt  }
.Lfunc_end0:
.L_simem_size_0:
called_computation_lowered:
.L_overlay_start_0:
0x88: {  	s2 =	sld [smem:$0x3FD9]  }
0x89: {  	s3 =	sld [smem:$0x3FFE];
	_ =	sdelay $0x1  }
0x8a: {  	s1 =	srdreg.scid  }
0x8b: {  	s0 =	sand.u32 $0x1, s1  }
0x8c: {  	s17 =	sshll.u32 s0, $0xA;
	s2 =	sadd.s32 s3, s2  }
0x8d: {  	s2 =	sadd.s32 s2, s17  }
0x8e: {  	[smem:$0x3FC6] =	sst s2  }
0x8f: {  	_ = 	snop  }
0x90: {  	s2 =	sld [smem:$0x3FC9]  }
0x91: {  	s18 =	sld [smem:$0x3FC8]  }
0x92: {  	s4 =	sld [smem:$0x3FD0];
	(tm) =	ssettm $0x1  }
0x93: {  	s5 =	sld [smem:$0x3FFB];
	_ =	sdelay $0x3  }
0x94: {  	_ =	strace s5  }
0x95: {  	s5 =	sld [smem:$0x3FFC];
	_ =	sdelay $0x3  }
0x96: {  	_ =	strace s5  }
0x97: {  	s5 =	sld [smem:$0x3FFD];
	_ =	sdelay $0x3  }
0x98: {  	_ =	strace s5  }
0x99: {  	_ =	strace $0x8FFFFFFF  }
0x9a: {  	s19 =	sld [smem:$0x3FDB];
	_ =	sdelay $0x1  }
0x9b: {  	s6 =	simm.s32 $_scs_section_size  }
0x9c: {  	s7 =	simm.s32 $_size__tile_overlayer_lowered;
	s8 =	simm.s32 $_tile_overlayer_lowered  }
0x9d: {  	s22 =	simm.s32 $0x1BFF;
	s21 =	sshll.u32 s8, $0x1;
	s5 =	sadd.s32 s6, s19  }
0x9e: {  	s9 =	simm.s32 $0x0;
	s20 =	sshll.u32 s7, $0x1;
	s7 =	sadd.s32 s21, s5  }
0x9f: {  	[timem:s9], [sflag:s22] =	dma.local [hbm:s7], s20  }
0xa0: {  	_ =	swait.ge [sflag:s22], s20  }
0xa1: {  	s6 =	ssub.s32 $0x0, s20;
	[sflag:s22] =	ssyncset.done $0x0  }
0xa2: {  	[sflag:s22] =	ssyncadd.s32 s6;
	_ =	sdelay $0x1  }
0xa3: {  	s23 =	simm.s32 $0x1B8B  }
0xa4: {  	_ =	swait.ge [sflag:s23], $0x1  }
0xa5: {  	[sflag:s23] =	ssyncset.done $0x0  }
0xa6: {  	s25 =	simm.s32 $0x1B8E;
	s24 =	sld [smem:$0x3FFE];
	[sflag:s23] =	ssyncadd.s32 $0xFFFFFFFF  }
0xa7: {  	s26 =	simm.s32 $execute0_lowered;
	[smem:$0x3FD2] =	sst s25  }
0xa8: {  	s7 =	sshll.u32 s26, $0x1;
	_ =	strace $0x80000046;
	[dreg:$0x1] =	wrdreg $0xFFFFFFFF  }
0xa9: {  	s28 =	simm.s32 $_size_execute0_lowered;
	s5 =	sadd.s32 s5, s7;
	[dreg:$0x0] =	wrdreg $0x0  }
0xaa: {  	s7 =	sshll.u32 s28, $0x1;
	[dreg:$0x2] =	wrdreg s5  }
0xab: {  	[dreg:$0x3] =	wrdreg s7  }
0xac: {  	[dreg:$0x4] =	wrdreg $0xC0  }
0xad: {  	_ =	task [dreg:s9], $0x5FFFF  }
0xae: {  	[dreg:$0x1] =	wrdreg $0xFFFFFFFF  }
0xaf: {  	[dreg:$0x0] =	wrdreg $0x60  }
0xb0: {  	[dreg:$0x2] =	wrdreg s2  }
0xb1: {  	[dreg:$0x3] =	wrdreg s18  }
0xb2: {  	[dreg:$0x4] =	wrdreg s24  }
0xb3: {  	[dreg:$0x5] =	wrdreg s4  }
0xb4: {  	[dreg:$0x6] =	wrdreg $0x9  }
0xb5: {  	_ =	task.clear_ibuf [dreg:s9], $0x7FFFF;
	_ =	strace $0x90000046  }
0xb6: {  	s29 =	simm.s32 $0x9;
	_ =	strace $0x80000048  }
0xb7: {  	_ =	swait.ge [sflag:s29], $0x1  }
0xb8: {  	[sflag:s29] =	ssyncadd.s32 $0xFFFFFFFF  }
0xb9: {  	_ =	strace $0x90000048  }
0xba: {  	_ =	sfence  }
0xbb: {  	s30 =	sld [smem:$0x0];
	_ =	sdelay $0x2  }
0xbc: {  	s31 =	sshll.u32 s1, $0xD;
	s1 =	sshrl.u32 s1, $0x2  }
0xbd: {  	s3 =	sand.u32 $0x4000, s31;
	s1 =	sadd.s32 s1, s30  }
0xbe: {  	s0 =	sor.u32 s3, s0;
	s1 =	sshll.u32 s1, $0x11  }
0xbf: {  	s0 =	sor.u32 s1, s0  }
0xc0: {  	s0 =	sadd.s32 $0x8F2B, s0  }
0xc1: {  	[sflag:s0] =	ssyncadd.remote.s32 $0x1  }
0xc2: {  	_ =	sfence.sel $0xFFFF  }
0xc3: {  	[dreg:$0x0] =	wrdreg $0xFFFFFFFF;
	(pc) =	sbr.abs _section_cstart, $3  }
0xc4: {  	[dreg:$0x1] =	wrdreg $0xFFFFFFFF  }
0xc5: {  	_ =	task.clear_ibuf [dreg:s9], $0x2FFFF;
	_ =	strace $0x9FFFFFFF  }
0xc6: {  	(tm) =	ssettm $0x7FFFFFFF  }
0xc7: {  	_ =	shalt  }
tec
execute0_lowered:
.L_overlay_start_1:
0x0: {  	(tag) =	ssettag $0x1  }
0x1: {  	s0 =	rddreg [dreg:$0x0]  }
0x2: {  	s1 =	rddreg [dreg:$0x1]  }
0x3: {  	s2 =	rddreg [dreg:$0x2]  }
0x4: {  	s3 =	rddreg [dreg:$0x3]  }
0x5: {  	s4 =	srdreg.scid;
	s5 =	stileid.u32  }
0x6: {  	s7 =	simm.s32 $0x0;
	v0 =	vimm.s32 $0x1380;
	vm0 =	vcmask $0x300;
	s20 =	simm.s32 $0x11;
	s9 =	simm.s32 $0xA200  }
0x7: {  	vm14 =	vcmask $0x704;
	s10 =	simm.s32 $0x400;
	s11 =	simm.s32 $0x7A1400;
	s21 =	simm.s32 $0x2200;
	v0 =	vsel vm0, $0x0, v0  }
0x8: {  	vm15 =	vcmask $0xB08;
	s13 =	simm.s32 $0x3200;
	s8 =	simm.s32 $0x8A00;
	s12 =	simm.s32 $0x9200;
	v0 =	vsel vm14, $0x80, v0  }
0x9: {  	vm4 =	vcmask $0xF0C;
	s14 =	simm.s32 $0x1;
	s30 =	simm.s32 $0x200;
	s15 =	simm.s32 $0x2;
	v0 =	vsel vm15, $0x100, v0  }
0xa: {  	vm5 =	vcmask $0x1310;
	s16 =	simm.s32 $0x3;
	s17 =	simm.s32 $0x4;
	s28 =	simm.s32 $0x5;
	v0 =	vsel vm4, $0x180, v0  }
0xb: {  	vm6 =	vcmask $0x1714;
	s29 =	simm.s32 $0x6;
	s31 =	simm.s32 $0x7;
	s19 =	simm.s32 $0x0;
	v0 =	vsel vm5, $0x200, v0  }
0xc: {  	vm7 =	vcmask $0x1B18;
	s4 =	sand.u32 $0x1, s4;
	s5 =	sshll.u32 s5, $0xA;
	[smem:$0x7FF] =	sst s7;
	v0 =	vsel vm6, $0x280, v0  }
0xd: {  	vm8 =	vcmask $0x1F1C;
	s2 =	sadd.s32 $0x400, s2;
	s7 =	simm.s32 $0x7A00;
	s6 =	sshll.u32 s4, $0x9;
	v0 =	vsel vm7, $0x300, v0  }
0xe: {  	vm9 =	vcmask $0x2320;
	s4 =	ssub.s32 $0x2, s4;
	_ =	strace $0x80000047;
	[dreg:$0x5] =	wrdreg s2;
	v0 =	vsel vm8, $0x380, v0  }
0xf: {  	vm10 =	vcmask $0x2724;
	s2 =	simm.s32 $0x5A00;
	s5 =	sor.u32 s6, s5;
	s22 =	sshrl.u32 s4, $0x1;
	v0 =	vsel vm9, $0x1000, v0  }
0x10: {  	vm11 =	vcmask $0x2B28;
	s6 =	simm.s32 $0x7200;
	s23 =	sshrl.u32 s5, $0x3;
	s24 =	ssub.s32 s4, s22;
	v0 =	vsel vm10, $0x1080, v0  }
0x11: {  	vm12 =	vcmask $0x2F2C;
	s25 =	sadd.s32 s3, s5;
	s22 =	simm.s32 $0x2A00;
	s4 =	simm.s32 $0x6200;
	v0 =	vsel vm11, $0x1100, v0  }
0x12: {  	vm13 =	vcmask $0x3330;
	s5 =	simm.s32 $0x6A00;
	s3 =	simm.s32 $0x8200;
	s0 =	sadd.s32 s0, s23;
	v0 =	vsel vm12, $0x1180, v0  }
0x13: {  	vm14 =	vcmask $0x3734;
	[dreg:$0x7] =	wrdreg s25;
	s26 =	smax.u32 s24, $0x1;
	s24 =	simm.s32 $0x3A00;
	v0 =	vsel vm13, $0x1200, v0  }
0x14: {  	v1 =	vlaneseq.u32;
	vm15 =	vcmask $0x3B38;
	s25 =	simm.s32 $0x4200;
	s23 =	simm.s32 $0x9A00;
	[dreg:$0x6] =	wrdreg s0;
	v2 =	vsel vm14, $0x1280, v0  }
0x15: {  	[dreg:$0x8] =	wrdreg s26;
	s26 =	simm.s32 $0x4A00;
	s0 =	simm.s32 $0x5200;
	v0 =	vmul.u32 $0x80, v1;
	v1 =	vimm.s32 $0x0;
	v2 =	vsel vm15, $0x1300, v2  }
.LBB2_1:
0x16: {  	[dreg:$0x9] =	wrdreg s19  }
0x17: {  	s18 =	simm.s32 $0x0;
	s19 =	rddreg [dreg:$0x6]  }
0x18: {  	[tilespmem:s18], [sflag:$0x11] =	stream.linear.gather [hbm4b:s19+s18], $0x200, $0x38;
	[tilespmem:$0xAA00] =	vst v63  }
0x19: {  	_ =	swait.ge [sflag:s20], $0x200  }
0x1a: {  	[sflag:s20] =	ssyncset.done $0x0  }
0x1b: {  	s19 =	rddreg [dreg:$0x5];
	[sflag:s20] =	ssyncadd.s32 $0xFFFFFE00  }
0x1c: {  	[tilespmem:s9], [sflag:$0x11] =	stream.linear.gather [hbm4b:s19+s18], $0x800, $0x38;
	[tilespmem:$0xAA00] =	vst v63  }
0x1d: {  	_ =	swait.ge [sflag:s20], $0x800  }
0x1e: {  	[sflag:s20] =	ssyncset.done $0x0  }
0x1f: {  	[sflag:s20] =	ssyncadd.s32 $0xFFFFF800  }
0x20: {  	v5 =	vld [tilespmem:s18+$0x0];
	_ =	sdelay $0x4  }
0x21: {  	v3 =	vshra.s32 v5, $0x7  }
0x22: {  	vm0 =	vlt.s32 v3, $0x1E83  }
0x23: {  	v3 =	vnsel vm0, $0x1E83, v3  }
0x24: {  	v3 =	vshll.u32 v3, $0x7  }
0x25: {  	(v2sf) =	vpush v3, $0x0;
	_ =	sdelay $0x1  }
0x26: {  	(v2sf) =	vpush v3, $0x1  }
0x27: {  	(v2sf) =	vpush v3, $0x2;
	_ =	sdelay $0x1  }
0x28: {  	(v2sf) =	vpush v3, $0x3;
	_ =	sdelay $0x1  }
0x29: {  	(v2sf) =	vpush v3, $0x4;
	_ =	sdelay $0x1  }
0x2a: {  	(v2sf) =	vpush v3, $0x5;
	_ =	sdelay $0x1  }
0x2b: {  	(v2sf) =	vpush v3, $0x6;
	_ =	sdelay $0x3  }
0x2c: {  	s19 =	spop (v2sf);
	(v2sf) =	vpush v3, $0x7;
	_ =	sdelay $0x1  }
0x2d: {  	s18 =	sand.u32 $0x1FFFFF80, s19;
	s20 =	spop (v2sf);
	(v2sf) =	vpush v3, $0x8  }
0x2e: {  	s18 =	sadd.s32 s1, s18;
	s19 =	sand.u32 $0x1FFFFF80, s20;
	s20 =	spop (v2sf);
	(v2sf) =	vpush v3, $0x9  }
0x2f: {  	[tilespmem:s21], [sflag:$0x1] =	stream.strided.gather [hbm4b:s18+s10], $0x800, s11, s10, $0x38;
	[tilespmem:$0xAA00] =	vst v63  }
0x30: {  	s19 =	sadd.s32 s1, s19;
	s18 =	sand.u32 $0x1FFFFF80, s20;
	s20 =	spop (v2sf);
	(v2sf) =	vpush v3, $0xA  }
0x31: {  	[tilespmem:s22], [sflag:$0x2] =	stream.strided.gather [hbm4b:s19+s10], $0x800, s11, s10, $0x38;
	[tilespmem:$0xAA00] =	vst v63  }
0x32: {  	s18 =	sadd.s32 s1, s18;
	s19 =	sand.u32 $0x1FFFFF80, s20;
	s20 =	spop (v2sf);
	(v2sf) =	vpush v3, $0xB  }
0x33: {  	[tilespmem:s13], [sflag:$0x3] =	stream.strided.gather [hbm4b:s18+s10], $0x800, s11, s10, $0x38;
	[tilespmem:$0xAA00] =	vst v63  }
0x34: {  	s19 =	sadd.s32 s1, s19;
	s18 =	sand.u32 $0x1FFFFF80, s20;
	s20 =	spop (v2sf);
	(v2sf) =	vpush v3, $0xC  }
0x35: {  	[tilespmem:s24], [sflag:$0x4] =	stream.strided.gather [hbm4b:s19+s10], $0x800, s11, s10, $0x38;
	[tilespmem:$0xAA00] =	vst v63  }
0x36: {  	s18 =	sadd.s32 s1, s18;
	s19 =	sand.u32 $0x1FFFFF80, s20;
	s20 =	spop (v2sf);
	(v2sf) =	vpush v3, $0xD  }
0x37: {  	[tilespmem:s25], [sflag:$0x5] =	stream.strided.gather [hbm4b:s18+s10], $0x800, s11, s10, $0x38;
	[tilespmem:$0xAA00] =	vst v63  }
0x38: {  	s19 =	sadd.s32 s1, s19;
	s18 =	sand.u32 $0x1FFFFF80, s20  }
0x39: {  	[tilespmem:s26], [sflag:$0x6] =	stream.strided.gather [hbm4b:s19+s10], $0x800, s11, s10, $0x38;
	[tilespmem:$0xAA00] =	vst v63  }
0x3a: {  	s18 =	sadd.s32 s1, s18;
	s20 =	spop (v2sf);
	(v2sf) =	vpush v3, $0xE  }
0x3b: {  	[tilespmem:s0], [sflag:$0x7] =	stream.strided.gather [hbm4b:s18+s10], $0x800, s11, s10, $0x38;
	[tilespmem:$0xAA00] =	vst v63  }
0x3c: {  	s19 =	sand.u32 $0x1FFFFF80, s20;
	s20 =	spop (v2sf);
	(v2sf) =	vpush v3, $0xF  }
0x3d: {  	s19 =	sadd.s32 s1, s19;
	s18 =	sand.u32 $0x1FFFFF80, s20;
	s20 =	spop (v2sf)  }
0x3e: {  	[tilespmem:s2], [sflag:$0x8] =	stream.strided.gather [hbm4b:s19+s10], $0x800, s11, s10, $0x38;
	[tilespmem:$0xAA00] =	vst v63  }
0x3f: {  	s18 =	sadd.s32 s1, s18;
	s19 =	sand.u32 $0x1FFFFF80, s20;
	s20 =	spop (v2sf)  }
0x40: {  	[tilespmem:s4], [sflag:$0x9] =	stream.strided.gather [hbm4b:s18+s10], $0x800, s11, s10, $0x38;
	[tilespmem:$0xAA00] =	vst v63  }
0x41: {  	s19 =	sadd.s32 s1, s19;
	s18 =	sand.u32 $0x1FFFFF80, s20;
	s20 =	spop (v2sf)  }
0x42: {  	[tilespmem:s5], [sflag:$0xA] =	stream.strided.gather [hbm4b:s19+s10], $0x800, s11, s10, $0x38;
	[tilespmem:$0xAA00] =	vst v63  }
0x43: {  	s18 =	sadd.s32 s1, s18;
	s19 =	sand.u32 $0x1FFFFF80, s20;
	s20 =	spop (v2sf)  }
0x44: {  	[tilespmem:s6], [sflag:$0xB] =	stream.strided.gather [hbm4b:s18+s10], $0x800, s11, s10, $0x38;
	[tilespmem:$0xAA00] =	vst v63  }
0x45: {  	s19 =	sadd.s32 s1, s19;
	s18 =	sand.u32 $0x1FFFFF80, s20;
	s20 =	spop (v2sf)  }
0x46: {  	[tilespmem:s7], [sflag:$0xC] =	stream.strided.gather [hbm4b:s19+s10], $0x800, s11, s10, $0x38;
	[tilespmem:$0xAA00] =	vst v63  }
0x47: {  	s18 =	sadd.s32 s1, s18;
	s19 =	sand.u32 $0x1FFFFF80, s20  }
0x48: {  	[tilespmem:s3], [sflag:$0xD] =	stream.strided.gather [hbm4b:s18+s10], $0x800, s11, s10, $0x38;
	[tilespmem:$0xAA00] =	vst v63  }
0x49: {  	s19 =	sadd.s32 s1, s19;
	s20 =	spop (v2sf)  }
0x4a: {  	v4 =	vadd.s32 $0xFFF0BE40, v5;
	[tilespmem:s8], [sflag:$0xE] =	stream.strided.gather [hbm4b:s19+s10], $0x800, s11, s10, $0x38;
	[tilespmem:$0xAA00] =	vst v63  }
0x4b: {  	vm0 =	vgt.s32 v4, $0x0;
	v3 =	vand.u32 $0x7F, v5;
	s18 =	sand.u32 $0x1FFFFF80, s20;
	s20 =	spop (v2sf)  }
0x4c: {  	v4 =	vnsel vm0, $0x0, v4;
	v6 =	vbroadcast v3, $0x0;
	s18 =	sadd.s32 s1, s18;
	s19 =	sand.u32 $0x1FFFFF80, s20  }
0x4d: {  	v7 =	vbroadcast v4, $0x0;
	[tilespmem:s12], [sflag:$0xF] =	stream.strided.gather [hbm4b:s18+s10], $0x800, s11, s10, $0x38;
	[tilespmem:$0xAA00] =	vst v63  }
0x4e: {  	v6 =	vor.u32 v0, v6;
	s19 =	sadd.s32 s1, s19  }
0x4f: {  	v7 =	vadd.s32 v0, v7;
	[tilespmem:s23], [sflag:$0x10] =	stream.strided.gather [hbm4b:s19+s10], $0x800, s11, s10, $0x38;
	[tilespmem:$0xAA00] =	vst v63  }
0x50: {  	s20 =	simm.s32 $0x0;
	_ =	swait.ge [sflag:s14], $0x800  }
0x51: {  	v8 =	vmov s20;
	[sflag:s14] =	ssyncset.done $0x0  }
0x52: {  	v9 =	vshll.u32 v8, $0x3;
	[sflag:s14] =	ssyncadd.s32 $0xFFFFF800  }
0x53: {  	vm0 =	vlt.s32 v5, $0xF4200;
	v8 =	vand.u32 $0x70, v8;
	v9 =	vand.u32 $0xC00, v9;
	v6 =	vld.idx.msk [tilespmem:v6+s21+$0x0], $0xffff  }
0x54: {  	v5 =	vsel vm0, $0x1, v1;
	v8 =	vor.u32 v9, v8;
	v7 =	vld.idx.msk [tilespmem:v7+s9+$0x0], $0xffff  }
0x55: {  	v9 =	vbroadcast v5, $0x0;
	v8 =	vor.u32 v2, v8;
	_ =	sdelay $0x1  }
0x56: {  	v10 =	vbroadcast v3, $0x1;
	v9 =	vand.u32 $0x1, v9  }
0x57: {  	v11 =	vbroadcast v4, $0x1;
	vm0 =	veq.s32 v9, $0x1  }
0x58: {  	v6 =	vsel vm0, v6, v7;
	v7 =	vor.u32 v0, v10  }
0x59: {  	v9 =	vadd.s32 v0, v11;
	[tilespmem:v8+s30+$0x0] =	vst.idx.msk $0xffff, v6  }
0x5a: {  	s21 =	simm.s32 $0x1;
	_ =	swait.ge [sflag:s15], $0x800  }
0x5b: {  	v6 =	vmov s21;
	[sflag:s15] =	ssyncset.done $0x0  }
0x5c: {  	v8 =	vshll.u32 v6, $0x3;
	[sflag:s15] =	ssyncadd.s32 $0xFFFFF800  }
0x5d: {  	v6 =	vand.u32 $0x71, v6;
	v8 =	vand.u32 $0xC00, v8;
	v7 =	vld.idx.msk [tilespmem:v7+s22+$0x0], $0xffff  }
0x5e: {  	v6 =	vor.u32 v8, v6;
	v8 =	vld.idx.msk [tilespmem:v9+s9+$0x0], $0xffff  }
0x5f: {  	v9 =	vbroadcast v5, $0x1;
	v6 =	vor.u32 v2, v6;
	_ =	sdelay $0x1  }
0x60: {  	v10 =	vbroadcast v3, $0x2;
	v9 =	vand.u32 $0x1, v9  }
0x61: {  	v11 =	vbroadcast v4, $0x2;
	vm0 =	veq.s32 v9, $0x1  }
0x62: {  	v7 =	vsel vm0, v7, v8;
	v8 =	vor.u32 v0, v10  }
0x63: {  	v9 =	vadd.s32 v0, v11;
	[tilespmem:v6+s30+$0x0] =	vst.idx.msk $0xffff, v7  }
0x64: {  	s22 =	simm.s32 $0x2;
	_ =	swait.ge [sflag:s16], $0x800  }
0x65: {  	v6 =	vmov s22;
	[sflag:s16] =	ssyncset.done $0x0  }
0x66: {  	v7 =	vshll.u32 v6, $0x3;
	[sflag:s16] =	ssyncadd.s32 $0xFFFFF800  }
0x67: {  	v6 =	vand.u32 $0x72, v6;
	v7 =	vand.u32 $0xC00, v7;
	v8 =	vld.idx.msk [tilespmem:v8+s13+$0x0], $0xffff  }
0x68: {  	v6 =	vor.u32 v7, v6;
	v7 =	vld.idx.msk [tilespmem:v9+s9+$0x0], $0xffff  }
0x69: {  	v9 =	vbroadcast v5, $0x2;
	v6 =	vor.u32 v2, v6;
	_ =	sdelay $0x1  }
0x6a: {  	v10 =	vbroadcast v3, $0x3;
	v9 =	vand.u32 $0x1, v9  }
0x6b: {  	v11 =	vbroadcast v4, $0x3;
	vm0 =	veq.s32 v9, $0x1  }
0x6c: {  	v9 =	vor.u32 v0, v10;
	v7 =	vsel vm0, v8, v7  }
0x6d: {  	v8 =	vadd.s32 v0, v11;
	[tilespmem:v6+s30+$0x0] =	vst.idx.msk $0xffff, v7  }
0x6e: {  	s23 =	simm.s32 $0x3;
	_ =	swait.ge [sflag:s17], $0x800  }
0x6f: {  	v6 =	vmov s23;
	[sflag:s17] =	ssyncset.done $0x0  }
0x70: {  	v7 =	vshll.u32 v6, $0x3;
	[sflag:s17] =	ssyncadd.s32 $0xFFFFF800  }
0x71: {  	v6 =	vand.u32 $0x73, v6;
	v7 =	vand.u32 $0xC00, v7;
	v9 =	vld.idx.msk [tilespmem:v9+s24+$0x0], $0xffff  }
0x72: {  	v6 =	vor.u32 v7, v6;
	v7 =	vld.idx.msk [tilespmem:v8+s9+$0x0], $0xffff  }
0x73: {  	v8 =	vbroadcast v5, $0x3;
	v6 =	vor.u32 v2, v6;
	_ =	sdelay $0x1  }
0x74: {  	v10 =	vbroadcast v3, $0x4;
	v8 =	vand.u32 $0x1, v8  }
0x75: {  	v11 =	vbroadcast v4, $0x4;
	vm0 =	veq.s32 v8, $0x1  }
0x76: {  	v8 =	vor.u32 v0, v10;
	v7 =	vsel vm0, v9, v7  }
0x77: {  	v9 =	vadd.s32 v0, v11;
	[tilespmem:v6+s30+$0x0] =	vst.idx.msk $0xffff, v7  }
0x78: {  	s24 =	simm.s32 $0x4;
	_ =	swait.ge [sflag:s28], $0x800  }
0x79: {  	v6 =	vmov s24;
	[sflag:s28] =	ssyncset.done $0x0  }
0x7a: {  	v7 =	vshll.u32 v6, $0x3;
	[sflag:s28] =	ssyncadd.s32 $0xFFFFF800  }
0x7b: {  	v6 =	vand.u32 $0x74, v6;
	v7 =	vand.u32 $0xC00, v7;
	v8 =	vld.idx.msk [tilespmem:v8+s25+$0x0], $0xffff  }
0x7c: {  	v6 =	vor.u32 v7, v6;
	v7 =	vld.idx.msk [tilespmem:v9+s9+$0x0], $0xffff  }
0x7d: {  	v9 =	vbroadcast v5, $0x4;
	v6 =	vor.u32 v2, v6;
	_ =	sdelay $0x1  }
0x7e: {  	v10 =	vbroadcast v3, $0x5;
	v9 =	vand.u32 $0x1, v9  }
0x7f: {  	v11 =	vbroadcast v4, $0x5;
	vm0 =	veq.s32 v9, $0x1  }
0x80: {  	v9 =	vor.u32 v0, v10;
	v7 =	vsel vm0, v8, v7  }
0x81: {  	v8 =	vadd.s32 v0, v11;
	[tilespmem:v6+s30+$0x0] =	vst.idx.msk $0xffff, v7  }
0x82: {  	s28 =	simm.s32 $0x5;
	_ =	swait.ge [sflag:s29], $0x800  }
0x83: {  	v6 =	vmov s28;
	[sflag:s29] =	ssyncset.done $0x0  }
0x84: {  	v7 =	vshll.u32 v6, $0x3;
	[sflag:s29] =	ssyncadd.s32 $0xFFFFF800  }
0x85: {  	v6 =	vand.u32 $0x75, v6;
	v7 =	vand.u32 $0xC00, v7;
	v9 =	vld.idx.msk [tilespmem:v9+s26+$0x0], $0xffff  }
0x86: {  	v6 =	vor.u32 v7, v6;
	v7 =	vld.idx.msk [tilespmem:v8+s9+$0x0], $0xffff  }
0x87: {  	v8 =	vbroadcast v5, $0x5;
	v6 =	vor.u32 v2, v6;
	_ =	sdelay $0x1  }
0x88: {  	v10 =	vbroadcast v3, $0x6;
	v8 =	vand.u32 $0x1, v8  }
0x89: {  	v11 =	vbroadcast v4, $0x6;
	vm0 =	veq.s32 v8, $0x1  }
0x8a: {  	v8 =	vor.u32 v0, v10;
	v7 =	vsel vm0, v9, v7  }
0x8b: {  	v9 =	vadd.s32 v0, v11;
	[tilespmem:v6+s30+$0x0] =	vst.idx.msk $0xffff, v7  }
0x8c: {  	s29 =	simm.s32 $0x6;
	_ =	swait.ge [sflag:s31], $0x800  }
0x8d: {  	v6 =	vmov s29;
	[sflag:s31] =	ssyncset.done $0x0  }
0x8e: {  	v7 =	vshll.u32 v6, $0x3;
	[sflag:s31] =	ssyncadd.s32 $0xFFFFF800  }
0x8f: {  	v6 =	vand.u32 $0x76, v6;
	v7 =	vand.u32 $0xC00, v7;
	v8 =	vld.idx.msk [tilespmem:v8+s0+$0x0], $0xffff  }
0x90: {  	v6 =	vor.u32 v7, v6;
	v7 =	vld.idx.msk [tilespmem:v9+s9+$0x0], $0xffff  }
0x91: {  	v9 =	vbroadcast v5, $0x6;
	v6 =	vor.u32 v2, v6;
	_ =	sdelay $0x1  }
0x92: {  	v10 =	vbroadcast v3, $0x7;
	v9 =	vand.u32 $0x1, v9  }
0x93: {  	v11 =	vbroadcast v4, $0x7;
	vm0 =	veq.s32 v9, $0x1  }
0x94: {  	v9 =	vor.u32 v0, v10;
	v7 =	vsel vm0, v8, v7  }
0x95: {  	s14 =	simm.s32 $0x8;
	v8 =	vadd.s32 v0, v11;
	[tilespmem:v6+s30+$0x0] =	vst.idx.msk $0xffff, v7  }
0x96: {  	s13 =	simm.s32 $0x7;
	_ =	swait.ge [sflag:s14], $0x800  }
0x97: {  	v6 =	vmov s13;
	[sflag:s14] =	ssyncset.done $0x0  }
0x98: {  	v7 =	vshll.u32 v6, $0x3;
	[sflag:s14] =	ssyncadd.s32 $0xFFFFF800  }
0x99: {  	v6 =	vand.u32 $0x77, v6;
	v7 =	vand.u32 $0xC00, v7;
	v9 =	vld.idx.msk [tilespmem:v9+s2+$0x0], $0xffff  }
0x9a: {  	v6 =	vor.u32 v7, v6;
	v7 =	vld.idx.msk [tilespmem:v8+s9+$0x0], $0xffff  }
0x9b: {  	v8 =	vbroadcast v5, $0x7;
	v6 =	vor.u32 v2, v6;
	_ =	sdelay $0x1  }
0x9c: {  	v10 =	vbroadcast v3, $0x8;
	v8 =	vand.u32 $0x1, v8  }
0x9d: {  	v11 =	vbroadcast v4, $0x8;
	vm0 =	veq.s32 v8, $0x1  }
0x9e: {  	v8 =	vor.u32 v0, v10;
	v7 =	vsel vm0, v9, v7  }
0x9f: {  	s16 =	simm.s32 $0x9;
	v9 =	vadd.s32 v0, v11;
	[tilespmem:v6+s30+$0x0] =	vst.idx.msk $0xffff, v7  }
0xa0: {  	s15 =	simm.s32 $0x8;
	_ =	swait.ge [sflag:s16], $0x800  }
0xa1: {  	v6 =	vmov s15;
	[sflag:s16] =	ssyncset.done $0x0  }
0xa2: {  	v7 =	vshll.u32 v6, $0x3;
	[sflag:s16] =	ssyncadd.s32 $0xFFFFF800  }
0xa3: {  	v6 =	vand.u32 $0x78, v6;
	v7 =	vand.u32 $0xC00, v7;
	v8 =	vld.idx.msk [tilespmem:v8+s4+$0x0], $0xffff  }
0xa4: {  	v6 =	vor.u32 v7, v6;
	v7 =	vld.idx.msk [tilespmem:v9+s9+$0x0], $0xffff  }
0xa5: {  	v9 =	vbroadcast v5, $0x8;
	v6 =	vor.u32 v2, v6;
	_ =	sdelay $0x1  }
0xa6: {  	v10 =	vbroadcast v3, $0x9;
	v9 =	vand.u32 $0x1, v9  }
0xa7: {  	v11 =	vbroadcast v4, $0x9;
	vm0 =	veq.s32 v9, $0x1  }
0xa8: {  	v7 =	vsel vm0, v8, v7;
	v8 =	vor.u32 v0, v10  }
0xa9: {  	s19 =	simm.s32 $0xA;
	v9 =	vadd.s32 v0, v11;
	[tilespmem:v6+s30+$0x0] =	vst.idx.msk $0xffff, v7  }
0xaa: {  	s17 =	simm.s32 $0x9;
	_ =	swait.ge [sflag:s19], $0x800  }
0xab: {  	v6 =	vmov s17;
	[sflag:s19] =	ssyncset.done $0x0  }
0xac: {  	v7 =	vshll.u32 v6, $0x3;
	[sflag:s19] =	ssyncadd.s32 $0xFFFFF800  }
0xad: {  	v6 =	vand.u32 $0x79, v6;
	v7 =	vand.u32 $0xC00, v7;
	v8 =	vld.idx.msk [tilespmem:v8+s5+$0x0], $0xffff  }
0xae: {  	v6 =	vor.u32 v7, v6;
	v7 =	vld.idx.msk [tilespmem:v9+s9+$0x0], $0xffff  }
0xaf: {  	v9 =	vbroadcast v5, $0x9;
	v6 =	vor.u32 v2, v6;
	_ =	sdelay $0x1  }
0xb0: {  	v10 =	vbroadcast v3, $0xA;
	v9 =	vand.u32 $0x1, v9  }
0xb1: {  	v11 =	vbroadcast v4, $0xA;
	vm0 =	veq.s32 v9, $0x1  }
0xb2: {  	v9 =	vor.u32 v0, v10;
	v7 =	vsel vm0, v8, v7  }
0xb3: {  	s21 =	simm.s32 $0xB;
	v8 =	vadd.s32 v0, v11;
	[tilespmem:v6+s30+$0x0] =	vst.idx.msk $0xffff, v7  }
0xb4: {  	s20 =	simm.s32 $0xA;
	_ =	swait.ge [sflag:s21], $0x800  }
0xb5: {  	v6 =	vmov s20;
	[sflag:s21] =	ssyncset.done $0x0  }
0xb6: {  	v7 =	vshll.u32 v6, $0x3;
	[sflag:s21] =	ssyncadd.s32 $0xFFFFF800  }
0xb7: {  	v6 =	vand.u32 $0x7A, v6;
	v7 =	vand.u32 $0xC00, v7;
	v9 =	vld.idx.msk [tilespmem:v9+s6+$0x0], $0xffff  }
0xb8: {  	v6 =	vor.u32 v7, v6;
	v7 =	vld.idx.msk [tilespmem:v8+s9+$0x0], $0xffff  }
0xb9: {  	v8 =	vbroadcast v5, $0xA;
	v6 =	vor.u32 v2, v6;
	_ =	sdelay $0x1  }
0xba: {  	v10 =	vbroadcast v3, $0xB;
	v8 =	vand.u32 $0x1, v8  }
0xbb: {  	v11 =	vbroadcast v4, $0xB;
	vm0 =	veq.s32 v8, $0x1  }
0xbc: {  	v8 =	vor.u32 v0, v10;
	v7 =	vsel vm0, v9, v7  }
0xbd: {  	s23 =	simm.s32 $0xC;
	v9 =	vadd.s32 v0, v11;
	[tilespmem:v6+s30+$0x0] =	vst.idx.msk $0xffff, v7  }
0xbe: {  	s22 =	simm.s32 $0xB;
	_ =	swait.ge [sflag:s23], $0x800  }
0xbf: {  	v6 =	vmov s22;
	[sflag:s23] =	ssyncset.done $0x0  }
0xc0: {  	v7 =	vshll.u32 v6, $0x3;
	[sflag:s23] =	ssyncadd.s32 $0xFFFFF800  }
0xc1: {  	v6 =	vand.u32 $0x7B, v6;
	v7 =	vand.u32 $0xC00, v7;
	v8 =	vld.idx.msk [tilespmem:v8+s7+$0x0], $0xffff  }
0xc2: {  	v6 =	vor.u32 v7, v6;
	v7 =	vld.idx.msk [tilespmem:v9+s9+$0x0], $0xffff  }
0xc3: {  	v9 =	vbroadcast v5, $0xB;
	v6 =	vor.u32 v2, v6;
	_ =	sdelay $0x1  }
0xc4: {  	v10 =	vbroadcast v3, $0xC;
	v9 =	vand.u32 $0x1, v9  }
0xc5: {  	v11 =	vbroadcast v4, $0xC;
	vm0 =	veq.s32 v9, $0x1  }
0xc6: {  	v7 =	vsel vm0, v8, v7;
	v8 =	vor.u32 v0, v10  }
0xc7: {  	s25 =	simm.s32 $0xD;
	v9 =	vadd.s32 v0, v11;
	[tilespmem:v6+s30+$0x0] =	vst.idx.msk $0xffff, v7  }
0xc8: {  	s24 =	simm.s32 $0xC;
	_ =	swait.ge [sflag:s25], $0x800  }
0xc9: {  	v6 =	vmov s24;
	[sflag:s25] =	ssyncset.done $0x0  }
0xca: {  	v7 =	vshll.u32 v6, $0x3;
	[sflag:s25] =	ssyncadd.s32 $0xFFFFF800  }
0xcb: {  	v6 =	vand.u32 $0x7C, v6;
	v7 =	vand.u32 $0xC00, v7;
	v8 =	vld.idx.msk [tilespmem:v8+s3+$0x0], $0xffff  }
0xcc: {  	v6 =	vor.u32 v7, v6;
	v7 =	vld.idx.msk [tilespmem:v9+s9+$0x0], $0xffff  }
0xcd: {  	v9 =	vbroadcast v5, $0xC;
	v6 =	vor.u32 v2, v6;
	_ =	sdelay $0x1  }
0xce: {  	v10 =	vbroadcast v3, $0xD;
	v9 =	vand.u32 $0x1, v9  }
0xcf: {  	v11 =	vbroadcast v4, $0xD;
	vm0 =	veq.s32 v9, $0x1  }
0xd0: {  	v7 =	vsel vm0, v8, v7;
	v8 =	vor.u32 v0, v10  }
0xd1: {  	s28 =	simm.s32 $0xE;
	v9 =	vadd.s32 v0, v11;
	[tilespmem:v6+s30+$0x0] =	vst.idx.msk $0xffff, v7  }
0xd2: {  	s26 =	simm.s32 $0xD;
	_ =	swait.ge [sflag:s28], $0x800  }
0xd3: {  	v6 =	vmov s26;
	[sflag:s28] =	ssyncset.done $0x0  }
0xd4: {  	v7 =	vshll.u32 v6, $0x3;
	[sflag:s28] =	ssyncadd.s32 $0xFFFFF800  }
0xd5: {  	v6 =	vand.u32 $0x7D, v6;
	v7 =	vand.u32 $0xC00, v7;
	v8 =	vld.idx.msk [tilespmem:v8+s8+$0x0], $0xffff  }
0xd6: {  	v6 =	vor.u32 v7, v6;
	v7 =	vld.idx.msk [tilespmem:v9+s9+$0x0], $0xffff  }
0xd7: {  	v9 =	vbroadcast v5, $0xD;
	v6 =	vor.u32 v2, v6;
	_ =	sdelay $0x1  }
0xd8: {  	v12 =	vbroadcast v4, $0xE;
	v11 =	vbroadcast v3, $0xE;
	v9 =	vand.u32 $0x1, v9  }
0xd9: {  	v4 =	vbroadcast v4, $0xF;
	v10 =	vbroadcast v5, $0xE;
	vm0 =	veq.s32 v9, $0x1  }
0xda: {  	s29 =	simm.s32 $0xE;
	v3 =	vbroadcast v3, $0xF;
	v7 =	vsel vm0, v8, v7;
	v8 =	vor.u32 v0, v11  }
0xdb: {  	s31 =	simm.s32 $0xF;
	v10 =	vand.u32 $0x1, v10;
	v9 =	vmov s29;
	v11 =	vadd.s32 v0, v12;
	[tilespmem:v6+s30+$0x0] =	vst.idx.msk $0xffff, v7  }
0xdc: {  	v5 =	vbroadcast v5, $0xF;
	v6 =	vshll.u32 v9, $0x3;
	v7 =	vmov s31;
	_ =	swait.ge [sflag:s31], $0x800  }
0xdd: {  	v9 =	vand.u32 $0x7E, v9;
	v6 =	vand.u32 $0xC00, v6;
	v63 =	vshll.u32 v7, $0x3;
	[sflag:s31] =	ssyncset.done $0x0  }
0xde: {  	v7 =	vand.u32 $0x7F, v7;
	v6 =	vor.u32 v6, v9;
	v12 =	vand.u32 $0xC00, v63;
	[sflag:s31] =	ssyncadd.s32 $0xFFFFF800  }
0xdf: {  	s18 =	simm.s32 $0x1F;
	s15 =	simm.s32 $0x2;
	s16 =	simm.s32 $0x3;
	v5 =	vand.u32 $0x1, v5;
	v9 =	vor.u32 v2, v6;
	v6 =	vor.u32 v12, v7;
	v7 =	vld.idx.msk [tilespmem:v8+s12+$0x0], $0xffff  }
0xe0: {  	s17 =	simm.s32 $0x4;
	s19 =	simm.s32 $0x0;
	s25 =	simm.s32 $0x5;
	vm1 =	veq.s32 v5, $0x1;
	vm0 =	veq.s32 v10, $0x1;
	v6 =	vor.u32 v2, v6;
	v8 =	vld.idx.msk [tilespmem:v11+s9+$0x0], $0xffff  }
.LBB2_2:
0xe1: {  	p0 =	sne.s32 s18, $0x1FF  }
0xe2: {  	s19 =	sadd.s32 $0x10, s19;
	s20 =	smov.u32 s18;
	s18 =	sadd.s32 $0x10, s18  }
0xe3: {  	_ =	sdelay $0x1  }
0xe4: {  	v3 =	vor.u32 v0, v3;
	v4 =	vadd.s32 v0, v4;
	v5 =	vsel vm0, v7, v8  }
0xe5: {  	s13 =	simm.s32 $0x10;
	[tilespmem:v9+s30+$0x0] =	vst.idx.msk $0xffff, v5  }
0xe6: {  	_ =	swait.ge [sflag:s13], $0x800  }
0xe7: {  	[sflag:s13] =	ssyncset.done $0x0  }
0xe8: {  	[sflag:s13] =	ssyncadd.s32 $0xFFFFF800;
	s13 =	simm.s32 $0x9A00  }
0xe9: {  	v3 =	vld.idx.msk [tilespmem:v3+s13+$0x0], $0xffff  }
0xea: {  	v4 =	vld.idx.msk [tilespmem:v4+s9+$0x0], $0xffff;
	_ =	sdelay $0x5  }
0xeb: {  	v3 =	vsel vm1, v3, v4  }
0xec: {  	[tilespmem:v6+s30+$0x0] =	vst.idx.msk $0xffff, v3  }
0xed: {  	v5 =	vld [tilespmem:s19+$0x0];
	_ =	sdelay $0x4  }
0xee: {  	v4 =	vshra.s32 v5, $0x7;
	v3 =	vand.u32 $0x7F, v5;
	v6 =	vadd.s32 $0xFFF0BE40, v5  }
0xef: {  	vm0 =	vlt.s32 v4, $0x1E83;
	vm1 =	vgt.s32 v6, $0x0;
	v49 =	vbroadcast v3, $0x0  }
0xf0: {  	v7 =	vnsel vm0, $0x1E83, v4;
	v4 =	vnsel vm1, $0x0, v6;
	vm0 =	vlt.s32 v5, $0xF4200  }
0xf1: {  	v51 =	vshll.u32 v7, $0x7;
	v50 =	vbroadcast v4, $0x0;
	v5 =	vsel vm0, $0x1, v1  }
0xf2: {  	v46 =	vbroadcast v4, $0x1;
	v6 =	vbroadcast v5, $0x0;
	(v2sf) =	vpush v51, $0x0  }
0xf3: {  	v47 =	vbroadcast v3, $0x1;
	v7 =	vbroadcast v5, $0x1;
	(v2sf) =	vpush v51, $0x1  }
0xf4: {  	v43 =	vbroadcast v4, $0x2;
	v48 =	vand.u32 $0x1, v6;
	(v2sf) =	vpush v51, $0x2  }
0xf5: {  	v44 =	vbroadcast v3, $0x2;
	v45 =	vand.u32 $0x1, v7;
	v6 =	vbroadcast v5, $0x2  }
0xf6: {  	v41 =	vbroadcast v3, $0x3;
	v40 =	vbroadcast v4, $0x3;
	(v2sf) =	vpush v51, $0x3  }
0xf7: {  	v37 =	vbroadcast v4, $0x4;
	v42 =	vand.u32 $0x1, v6;
	v6 =	vbroadcast v5, $0x3  }
0xf8: {  	v38 =	vbroadcast v3, $0x4;
	v7 =	vbroadcast v5, $0x4;
	(v2sf) =	vpush v51, $0x4  }
0xf9: {  	v35 =	vbroadcast v3, $0x5;
	v34 =	vbroadcast v4, $0x5;
	v39 =	vand.u32 $0x1, v6  }
0xfa: {  	v36 =	vand.u32 $0x1, v7;
	v6 =	vbroadcast v5, $0x5;
	(v2sf) =	vpush v51, $0x5  }
0xfb: {  	v32 =	vbroadcast v3, $0x6;
	v31 =	vbroadcast v4, $0x6  }
0xfc: {  	v33 =	vand.u32 $0x1, v6;
	v6 =	vbroadcast v5, $0x6;
	(v2sf) =	vpush v51, $0x6  }
0xfd: {  	s29 =	simm.s32 $0x2200;
	s3 =	simm.s32 $0x2A00;
	v28 =	vbroadcast v4, $0x7;
	v7 =	vbroadcast v5, $0x7  }
0xfe: {  	s12 =	simm.s32 $0x3200;
	s14 =	simm.s32 $0x3A00;
	s7 =	simm.s32 $0x4200;
	v29 =	vbroadcast v3, $0x7;
	v30 =	vand.u32 $0x1, v6;
	(v2sf) =	vpush v51, $0x7  }
0xff: {  	s8 =	simm.s32 $0x4A00;
	s26 =	simm.s32 $0x5200;
	s28 =	simm.s32 $0x5A00;
	v24 =	vbroadcast v4, $0x8;
	v27 =	vand.u32 $0x1, v7;
	v6 =	vbroadcast v5, $0x8  }
0x100: {  	s31 =	simm.s32 $0x6200;
	s0 =	simm.s32 $0x6A00;
	s2 =	simm.s32 $0x7200;
	v26 =	vbroadcast v3, $0x8;
	v7 =	vbroadcast v5, $0x9;
	(v2sf) =	vpush v51, $0x8  }
0x101: {  	s4 =	simm.s32 $0x7A00;
	s5 =	simm.s32 $0x8200;
	v21 =	vbroadcast v3, $0x9;
	v22 =	vbroadcast v4, $0x9;
	v25 =	vand.u32 $0x1, v6;
	s21 =	spop (v2sf)  }
0x102: {  	s6 =	simm.s32 $0x8A00;
	v23 =	vand.u32 $0x1, v7;
	v6 =	vbroadcast v5, $0xA;
	s21 =	sand.u32 $0x1FFFFF80, s21;
	s22 =	spop (v2sf);
	(v2sf) =	vpush v51, $0x9  }
0x103: {  	v19 =	vbroadcast v3, $0xA;
	v18 =	vbroadcast v4, $0xA;
	s21 =	sadd.s32 s1, s21;
	s22 =	sand.u32 $0x1FFFFF80, s22;
	s23 =	spop (v2sf)  }
0x104: {  	v20 =	vand.u32 $0x1, v6;
	v6 =	vbroadcast v5, $0xB;
	[tilespmem:s29], [sflag:$0x1] =	stream.strided.gather [hbm4b:s21+s10], $0x800, s11, s10, $0x38;
	(v2sf) =	vpush v51, $0xA;
	[tilespmem:$0xAA00] =	vst v63  }
0x105: {  	v15 =	vbroadcast v3, $0xB;
	v16 =	vbroadcast v4, $0xB;
	s21 =	sadd.s32 s1, s22;
	s22 =	sand.u32 $0x1FFFFF80, s23;
	s23 =	spop (v2sf)  }
0x106: {  	v17 =	vand.u32 $0x1, v6;
	v6 =	vbroadcast v5, $0xC;
	[tilespmem:s3], [sflag:$0x2] =	stream.strided.gather [hbm4b:s21+s10], $0x800, s11, s10, $0x38;
	(v2sf) =	vpush v51, $0xB;
	[tilespmem:$0xAA00] =	vst v63  }
0x107: {  	v12 =	vbroadcast v3, $0xC;
	v13 =	vbroadcast v4, $0xC;
	s21 =	sadd.s32 s1, s22;
	s22 =	sand.u32 $0x1FFFFF80, s23;
	s23 =	spop (v2sf)  }
0x108: {  	v14 =	vand.u32 $0x1, v6;
	v6 =	vbroadcast v5, $0xD;
	[tilespmem:s12], [sflag:$0x3] =	stream.strided.gather [hbm4b:s21+s10], $0x800, s11, s10, $0x38;
	(v2sf) =	vpush v51, $0xC;
	[tilespmem:$0xAA00] =	vst v63  }
0x109: {  	v9 =	vbroadcast v3, $0xD;
	v10 =	vbroadcast v4, $0xD;
	s21 =	sadd.s32 s1, s22;
	s22 =	sand.u32 $0x1FFFFF80, s23;
	s23 =	spop (v2sf)  }
0x10a: {  	v8 =	vbroadcast v5, $0xE;
	v11 =	vand.u32 $0x1, v6;
	[tilespmem:s14], [sflag:$0x4] =	stream.strided.gather [hbm4b:s21+s10], $0x800, s11, s10, $0x38;
	(v2sf) =	vpush v51, $0xD;
	[tilespmem:$0xAA00] =	vst v63  }
0x10b: {  	v7 =	vbroadcast v4, $0xE;
	v6 =	vbroadcast v3, $0xE;
	s21 =	sadd.s32 s1, s22;
	s22 =	sand.u32 $0x1FFFFF80, s23;
	s23 =	spop (v2sf)  }
0x10c: {  	v8 =	vand.u32 $0x1, v8;
	v5 =	vbroadcast v5, $0xF;
	[tilespmem:s7], [sflag:$0x5] =	stream.strided.gather [hbm4b:s21+s10], $0x800, s11, s10, $0x38;
	(v2sf) =	vpush v51, $0xE;
	[tilespmem:$0xAA00] =	vst v63  }
0x10d: {  	v4 =	vbroadcast v4, $0xF;
	v3 =	vbroadcast v3, $0xF;
	s21 =	sadd.s32 s1, s22;
	s22 =	sand.u32 $0x1FFFFF80, s23;
	s23 =	spop (v2sf)  }
0x10e: {  	v5 =	vand.u32 $0x1, v5;
	[tilespmem:s8], [sflag:$0x6] =	stream.strided.gather [hbm4b:s21+s10], $0x800, s11, s10, $0x38;
	(v2sf) =	vpush v51, $0xF;
	[tilespmem:$0xAA00] =	vst v63  }
0x10f: {  	s21 =	sadd.s32 s1, s22;
	s22 =	sand.u32 $0x1FFFFF80, s23;
	s23 =	spop (v2sf)  }
0x110: {  	[tilespmem:s26], [sflag:$0x7] =	stream.strided.gather [hbm4b:s21+s10], $0x800, s11, s10, $0x38;
	[tilespmem:$0xAA00] =	vst v63  }
0x111: {  	s21 =	sadd.s32 s1, s22;
	s22 =	sand.u32 $0x1FFFFF80, s23;
	s23 =	spop (v2sf)  }
0x112: {  	[tilespmem:s28], [sflag:$0x8] =	stream.strided.gather [hbm4b:s21+s10], $0x800, s11, s10, $0x38;
	[tilespmem:$0xAA00] =	vst v63  }
0x113: {  	s21 =	sadd.s32 s1, s22;
	s22 =	sand.u32 $0x1FFFFF80, s23;
	s23 =	spop (v2sf)  }
0x114: {  	[tilespmem:s31], [sflag:$0x9] =	stream.strided.gather [hbm4b:s21+s10], $0x800, s11, s10, $0x38;
	[tilespmem:$0xAA00] =	vst v63  }
0x115: {  	s21 =	sadd.s32 s1, s22;
	s22 =	sand.u32 $0x1FFFFF80, s23;
	s23 =	spop (v2sf)  }
0x116: {  	[tilespmem:s0], [sflag:$0xA] =	stream.strided.gather [hbm4b:s21+s10], $0x800, s11, s10, $0x38;
	[tilespmem:$0xAA00] =	vst v63  }
0x117: {  	s21 =	sadd.s32 s1, s22;
	s22 =	sand.u32 $0x1FFFFF80, s23;
	s23 =	spop (v2sf)  }
0x118: {  	[tilespmem:s2], [sflag:$0xB] =	stream.strided.gather [hbm4b:s21+s10], $0x800, s11, s10, $0x38;
	[tilespmem:$0xAA00] =	vst v63  }
0x119: {  	s21 =	sadd.s32 s1, s22;
	s22 =	sand.u32 $0x1FFFFF80, s23;
	s23 =	spop (v2sf)  }
0x11a: {  	[tilespmem:s4], [sflag:$0xC] =	stream.strided.gather [hbm4b:s21+s10], $0x800, s11, s10, $0x38;
	[tilespmem:$0xAA00] =	vst v63  }
0x11b: {  	s21 =	sadd.s32 s1, s22;
	s22 =	sand.u32 $0x1FFFFF80, s23;
	s23 =	spop (v2sf)  }
0x11c: {  	[tilespmem:s5], [sflag:$0xD] =	stream.strided.gather [hbm4b:s21+s10], $0x800, s11, s10, $0x38;
	[tilespmem:$0xAA00] =	vst v63  }
0x11d: {  	s21 =	sadd.s32 s1, s22;
	s22 =	sand.u32 $0x1FFFFF80, s23;
	s23 =	spop (v2sf)  }
0x11e: {  	[tilespmem:s6], [sflag:$0xE] =	stream.strided.gather [hbm4b:s21+s10], $0x800, s11, s10, $0x38;
	[tilespmem:$0xAA00] =	vst v63  }
0x11f: {  	s24 =	simm.s32 $0x9200;
	s21 =	sadd.s32 s1, s22;
	s22 =	sand.u32 $0x1FFFFF80, s23  }
0x120: {  	[tilespmem:s24], [sflag:$0xF] =	stream.strided.gather [hbm4b:s21+s10], $0x800, s11, s10, $0x38;
	[tilespmem:$0xAA00] =	vst v63  }
0x121: {  	v49 =	vor.u32 v0, v49;
	v50 =	vadd.s32 v0, v50;
	s21 =	sadd.s32 s1, s22  }
0x122: {  	[tilespmem:s13], [sflag:$0x10] =	stream.strided.gather [hbm4b:s21+s10], $0x800, s11, s10, $0x38;
	[tilespmem:$0xAA00] =	vst v63  }
0x123: {  	s23 =	simm.s32 $0x9A00;
	s13 =	simm.s32 $0x1  }
0x124: {  	s21 =	sadd.s32 $0xFFFFFFF1, s20;
	_ =	swait.ge [sflag:s13], $0x800  }
0x125: {  	v51 =	vmov s21;
	[sflag:s13] =	ssyncset.done $0x0  }
0x126: {  	v52 =	vshll.u32 v51, $0x3;
	[sflag:s13] =	ssyncadd.s32 $0xFFFFF800  }
0x127: {  	v51 =	vand.u32 $0x70, v51;
	v52 =	vand.u32 $0xC00, v52;
	v49 =	vld.idx.msk [tilespmem:v49+s29+$0x0], $0xffff  }
0x128: {  	v51 =	vor.u32 v52, v51;
	v50 =	vld.idx.msk [tilespmem:v50+s9+$0x0], $0xffff  }
0x129: {  	v51 =	vor.u32 v2, v51;
	_ =	sdelay $0x2  }
0x12a: {  	vm0 =	veq.s32 v48, $0x1;
	_ =	sdelay $0x1  }
0x12b: {  	v47 =	vor.u32 v0, v47;
	v46 =	vadd.s32 v0, v46;
	v48 =	vsel vm0, v49, v50  }
0x12c: {  	s21 =	sadd.s32 $0xFFFFFFF2, s20;
	[tilespmem:v51+s30+$0x0] =	vst.idx.msk $0xffff, v48  }
0x12d: {  	v48 =	vmov s21;
	_ =	swait.ge [sflag:s15], $0x800  }
0x12e: {  	v49 =	vshll.u32 v48, $0x3;
	[sflag:s15] =	ssyncset.done $0x0  }
0x12f: {  	v48 =	vand.u32 $0x71, v48;
	v49 =	vand.u32 $0xC00, v49;
	[sflag:s15] =	ssyncadd.s32 $0xFFFFF800  }
0x130: {  	v48 =	vor.u32 v49, v48;
	v47 =	vld.idx.msk [tilespmem:v47+s3+$0x0], $0xffff  }
0x131: {  	v48 =	vor.u32 v2, v48;
	v46 =	vld.idx.msk [tilespmem:v46+s9+$0x0], $0xffff;
	_ =	sdelay $0x2  }
0x132: {  	vm0 =	veq.s32 v45, $0x1;
	_ =	sdelay $0x2  }
0x133: {  	v44 =	vor.u32 v0, v44;
	v43 =	vadd.s32 v0, v43;
	s21 =	sadd.s32 $0xFFFFFFF3, s20;
	v45 =	vsel vm0, v47, v46  }
0x134: {  	[tilespmem:v48+s30+$0x0] =	vst.idx.msk $0xffff, v45;
	v45 =	vmov s21  }
0x135: {  	_ =	swait.ge [sflag:s16], $0x800;
	v46 =	vshll.u32 v45, $0x3  }
0x136: {  	v45 =	vand.u32 $0x72, v45;
	[sflag:s16] =	ssyncset.done $0x0;
	v46 =	vand.u32 $0xC00, v46  }
0x137: {  	[sflag:s16] =	ssyncadd.s32 $0xFFFFF800;
	v45 =	vor.u32 v46, v45  }
0x138: {  	v44 =	vld.idx.msk [tilespmem:v44+s12+$0x0], $0xffff;
	v45 =	vor.u32 v2, v45  }
0x139: {  	v43 =	vld.idx.msk [tilespmem:v43+s9+$0x0], $0xffff;
	_ =	sdelay $0x1  }
0x13a: {  	vm0 =	veq.s32 v42, $0x1;
	_ =	sdelay $0x2  }
0x13b: {  	v41 =	vor.u32 v0, v41;
	s21 =	sadd.s32 $0xFFFFFFF4, s20  }
0x13c: {  	v40 =	vadd.s32 v0, v40;
	v42 =	vsel vm0, v44, v43;
	v43 =	vmov s21  }
0x13d: {  	[tilespmem:v45+s30+$0x0] =	vst.idx.msk $0xffff, v42;
	v42 =	vshll.u32 v43, $0x3  }
0x13e: {  	v43 =	vand.u32 $0x73, v43;
	_ =	swait.ge [sflag:s17], $0x800;
	v42 =	vand.u32 $0xC00, v42  }
0x13f: {  	[sflag:s17] =	ssyncset.done $0x0;
	v42 =	vor.u32 v42, v43  }
0x140: {  	[sflag:s17] =	ssyncadd.s32 $0xFFFFF800;
	v42 =	vor.u32 v2, v42  }
0x141: {  	v41 =	vld.idx.msk [tilespmem:v41+s14+$0x0], $0xffff  }
0x142: {  	v40 =	vld.idx.msk [tilespmem:v40+s9+$0x0], $0xffff  }
0x143: {  	vm0 =	veq.s32 v39, $0x1;
	_ =	sdelay $0x2  }
0x144: {  	s21 =	sadd.s32 $0xFFFFFFF5, s20  }
0x145: {  	v38 =	vor.u32 v0, v38;
	v39 =	vmov s21  }
0x146: {  	v37 =	vadd.s32 v0, v37;
	v40 =	vsel vm0, v41, v40;
	v41 =	vshll.u32 v39, $0x3  }
0x147: {  	v39 =	vand.u32 $0x74, v39;
	[tilespmem:v42+s30+$0x0] =	vst.idx.msk $0xffff, v40;
	v40 =	vand.u32 $0xC00, v41  }
0x148: {  	_ =	swait.ge [sflag:s25], $0x800;
	v39 =	vor.u32 v40, v39  }
0x149: {  	[sflag:s25] =	ssyncset.done $0x0;
	v39 =	vor.u32 v2, v39  }
0x14a: {  	[sflag:s25] =	ssyncadd.s32 $0xFFFFF800  }
0x14b: {  	v38 =	vld.idx.msk [tilespmem:v38+s7+$0x0], $0xffff  }
0x14c: {  	vm0 =	veq.s32 v36, $0x1;
	v37 =	vld.idx.msk [tilespmem:v37+s9+$0x0], $0xffff;
	_ =	sdelay $0x2  }
0x14d: {  	s21 =	sadd.s32 $0xFFFFFFF6, s20  }
0x14e: {  	v36 =	vmov s21  }
0x14f: {  	v35 =	vor.u32 v0, v35;
	v40 =	vand.u32 $0x75, v36;
	v36 =	vshll.u32 v36, $0x3  }
0x150: {  	v34 =	vadd.s32 v0, v34;
	v36 =	vand.u32 $0xC00, v36;
	v37 =	vsel vm0, v38, v37  }
0x151: {  	s3 =	simm.s32 $0x6;
	v36 =	vor.u32 v36, v40;
	[tilespmem:v39+s30+$0x0] =	vst.idx.msk $0xffff, v37  }
0x152: {  	v36 =	vor.u32 v2, v36;
	_ =	swait.ge [sflag:s3], $0x800  }
0x153: {  	[sflag:s3] =	ssyncset.done $0x0  }
0x154: {  	[sflag:s3] =	ssyncadd.s32 $0xFFFFF800  }
0x155: {  	vm0 =	veq.s32 v33, $0x1;
	v35 =	vld.idx.msk [tilespmem:v35+s8+$0x0], $0xffff  }
0x156: {  	v33 =	vld.idx.msk [tilespmem:v34+s9+$0x0], $0xffff;
	_ =	sdelay $0x1  }
0x157: {  	s21 =	sadd.s32 $0xFFFFFFF7, s20  }
0x158: {  	v34 =	vmov s21  }
0x159: {  	v37 =	vshll.u32 v34, $0x3  }
0x15a: {  	v32 =	vor.u32 v0, v32;
	v34 =	vand.u32 $0x76, v34;
	v37 =	vand.u32 $0xC00, v37  }
0x15b: {  	v31 =	vadd.s32 v0, v31;
	v34 =	vor.u32 v37, v34;
	v33 =	vsel vm0, v35, v33  }
0x15c: {  	s3 =	simm.s32 $0x7;
	[tilespmem:v36+s30+$0x0] =	vst.idx.msk $0xffff, v33;
	v33 =	vor.u32 v2, v34  }
0x15d: {  	_ =	swait.ge [sflag:s3], $0x800  }
0x15e: {  	[sflag:s3] =	ssyncset.done $0x0  }
0x15f: {  	vm0 =	veq.s32 v30, $0x1;
	[sflag:s3] =	ssyncadd.s32 $0xFFFFF800  }
0x160: {  	v30 =	vld.idx.msk [tilespmem:v32+s26+$0x0], $0xffff  }
0x161: {  	v31 =	vld.idx.msk [tilespmem:v31+s9+$0x0], $0xffff  }
0x162: {  	s21 =	sadd.s32 $0xFFFFFFF8, s20  }
0x163: {  	v32 =	vmov s21  }
0x164: {  	v34 =	vshll.u32 v32, $0x3  }
0x165: {  	v32 =	vand.u32 $0x77, v32;
	v34 =	vand.u32 $0xC00, v34  }
0x166: {  	v29 =	vor.u32 v0, v29;
	v32 =	vor.u32 v34, v32  }
0x167: {  	v28 =	vadd.s32 v0, v28;
	v30 =	vsel vm0, v30, v31;
	v31 =	vor.u32 v2, v32  }
0x168: {  	s3 =	simm.s32 $0x8;
	[tilespmem:v33+s30+$0x0] =	vst.idx.msk $0xffff, v30  }
0x169: {  	_ =	swait.ge [sflag:s3], $0x800  }
0x16a: {  	vm0 =	veq.s32 v27, $0x1;
	[sflag:s3] =	ssyncset.done $0x0  }
0x16b: {  	[sflag:s3] =	ssyncadd.s32 $0xFFFFF800  }
0x16c: {  	v27 =	vld.idx.msk [tilespmem:v29+s28+$0x0], $0xffff  }
0x16d: {  	s21 =	sadd.s32 $0xFFFFFFF9, s20;
	v28 =	vld.idx.msk [tilespmem:v28+s9+$0x0], $0xffff  }
0x16e: {  	v29 =	vmov s21  }
0x16f: {  	v30 =	vshll.u32 v29, $0x3  }
0x170: {  	v29 =	vand.u32 $0x78, v29;
	v30 =	vand.u32 $0xC00, v30  }
0x171: {  	v29 =	vor.u32 v30, v29  }
0x172: {  	v29 =	vor.u32 v2, v29  }
0x173: {  	v26 =	vor.u32 v0, v26;
	v24 =	vadd.s32 v0, v24;
	v27 =	vsel vm0, v27, v28  }
0x174: {  	s3 =	simm.s32 $0x9;
	[tilespmem:v31+s30+$0x0] =	vst.idx.msk $0xffff, v27  }
0x175: {  	vm0 =	veq.s32 v25, $0x1;
	_ =	swait.ge [sflag:s3], $0x800  }
0x176: {  	[sflag:s3] =	ssyncset.done $0x0  }
0x177: {  	[sflag:s3] =	ssyncadd.s32 $0xFFFFF800  }
0x178: {  	s21 =	sadd.s32 $0xFFFFFFFA, s20;
	v25 =	vld.idx.msk [tilespmem:v26+s31+$0x0], $0xffff  }
0x179: {  	v26 =	vmov s21;
	v24 =	vld.idx.msk [tilespmem:v24+s9+$0x0], $0xffff  }
0x17a: {  	v27 =	vshll.u32 v26, $0x3  }
0x17b: {  	v26 =	vand.u32 $0x79, v26;
	v27 =	vand.u32 $0xC00, v27  }
0x17c: {  	v26 =	vor.u32 v27, v26  }
0x17d: {  	v26 =	vor.u32 v2, v26;
	_ =	sdelay $0x1  }
0x17e: {  	v21 =	vor.u32 v0, v21;
	v22 =	vadd.s32 v0, v22;
	v24 =	vsel vm0, v25, v24  }
0x17f: {  	s3 =	simm.s32 $0xA;
	vm0 =	veq.s32 v23, $0x1;
	[tilespmem:v29+s30+$0x0] =	vst.idx.msk $0xffff, v24  }
0x180: {  	_ =	swait.ge [sflag:s3], $0x800  }
0x181: {  	[sflag:s3] =	ssyncset.done $0x0  }
0x182: {  	s21 =	sadd.s32 $0xFFFFFFFB, s20;
	[sflag:s3] =	ssyncadd.s32 $0xFFFFF800  }
0x183: {  	v23 =	vmov s21;
	v21 =	vld.idx.msk [tilespmem:v21+s0+$0x0], $0xffff  }
0x184: {  	v24 =	vshll.u32 v23, $0x3;
	v22 =	vld.idx.msk [tilespmem:v22+s9+$0x0], $0xffff  }
0x185: {  	v23 =	vand.u32 $0x7A, v23;
	v24 =	vand.u32 $0xC00, v24  }
0x186: {  	v23 =	vor.u32 v24, v23  }
0x187: {  	v23 =	vor.u32 v2, v23;
	_ =	sdelay $0x1  }
0x188: {  	v19 =	vor.u32 v0, v19  }
0x189: {  	v18 =	vadd.s32 v0, v18;
	v21 =	vsel vm0, v21, v22;
	vm0 =	veq.s32 v20, $0x1  }
0x18a: {  	s0 =	simm.s32 $0xB;
	[tilespmem:v26+s30+$0x0] =	vst.idx.msk $0xffff, v21  }
0x18b: {  	_ =	swait.ge [sflag:s0], $0x800  }
0x18c: {  	s21 =	sadd.s32 $0xFFFFFFFC, s20;
	[sflag:s0] =	ssyncset.done $0x0  }
0x18d: {  	v20 =	vmov s21;
	[sflag:s0] =	ssyncadd.s32 $0xFFFFF800  }
0x18e: {  	v21 =	vshll.u32 v20, $0x3;
	v19 =	vld.idx.msk [tilespmem:v19+s2+$0x0], $0xffff  }
0x18f: {  	v20 =	vand.u32 $0x7B, v20;
	v21 =	vand.u32 $0xC00, v21;
	v18 =	vld.idx.msk [tilespmem:v18+s9+$0x0], $0xffff  }
0x190: {  	v20 =	vor.u32 v21, v20  }
0x191: {  	v20 =	vor.u32 v2, v20;
	_ =	sdelay $0x2  }
0x192: {  	vm1 =	veq.s32 v17, $0x1  }
0x193: {  	v15 =	vor.u32 v0, v15;
	v16 =	vadd.s32 v0, v16;
	v17 =	vsel vm0, v19, v18  }
0x194: {  	s0 =	simm.s32 $0xC;
	[tilespmem:v23+s30+$0x0] =	vst.idx.msk $0xffff, v17  }
0x195: {  	s21 =	sadd.s32 $0xFFFFFFFD, s20;
	_ =	swait.ge [sflag:s0], $0x800  }
0x196: {  	v17 =	vmov s21;
	[sflag:s0] =	ssyncset.done $0x0  }
0x197: {  	v18 =	vshll.u32 v17, $0x3;
	[sflag:s0] =	ssyncadd.s32 $0xFFFFF800  }
0x198: {  	v17 =	vand.u32 $0x7C, v17;
	v18 =	vand.u32 $0xC00, v18;
	v15 =	vld.idx.msk [tilespmem:v15+s4+$0x0], $0xffff  }
0x199: {  	v17 =	vor.u32 v18, v17;
	v16 =	vld.idx.msk [tilespmem:v16+s9+$0x0], $0xffff  }
0x19a: {  	v17 =	vor.u32 v2, v17;
	_ =	sdelay $0x2  }
0x19b: {  	vm0 =	veq.s32 v14, $0x1;
	_ =	sdelay $0x1  }
0x19c: {  	v12 =	vor.u32 v0, v12;
	v13 =	vadd.s32 v0, v13;
	v14 =	vsel vm1, v15, v16  }
0x19d: {  	s21 =	sadd.s32 $0xFFFFFFFE, s20;
	s0 =	simm.s32 $0xD;
	[tilespmem:v20+s30+$0x0] =	vst.idx.msk $0xffff, v14  }
0x19e: {  	v14 =	vmov s21;
	_ =	swait.ge [sflag:s0], $0x800  }
0x19f: {  	v15 =	vshll.u32 v14, $0x3;
	[sflag:s0] =	ssyncset.done $0x0  }
0x1a0: {  	v14 =	vand.u32 $0x7D, v14;
	v15 =	vand.u32 $0xC00, v15;
	[sflag:s0] =	ssyncadd.s32 $0xFFFFF800  }
0x1a1: {  	v14 =	vor.u32 v15, v14;
	v12 =	vld.idx.msk [tilespmem:v12+s5+$0x0], $0xffff  }
0x1a2: {  	v14 =	vor.u32 v2, v14;
	v13 =	vld.idx.msk [tilespmem:v13+s9+$0x0], $0xffff;
	_ =	sdelay $0x2  }
0x1a3: {  	vm1 =	veq.s32 v11, $0x1;
	_ =	sdelay $0x2  }
0x1a4: {  	v9 =	vor.u32 v0, v9;
	v10 =	vadd.s32 v0, v10;
	s21 =	sadd.s32 $0xFFFFFFFF, s20;
	v11 =	vsel vm0, v12, v13  }
0x1a5: {  	s0 =	simm.s32 $0xE;
	[tilespmem:v17+s30+$0x0] =	vst.idx.msk $0xffff, v11;
	v11 =	vmov s21  }
0x1a6: {  	_ =	swait.ge [sflag:s0], $0x800;
	v12 =	vshll.u32 v11, $0x3  }
0x1a7: {  	v11 =	vand.u32 $0x7E, v11;
	[sflag:s0] =	ssyncset.done $0x0;
	v12 =	vand.u32 $0xC00, v12  }
0x1a8: {  	[sflag:s0] =	ssyncadd.s32 $0xFFFFF800;
	v11 =	vor.u32 v12, v11  }
0x1a9: {  	v12 =	vld.idx.msk [tilespmem:v9+s6+$0x0], $0xffff;
	v9 =	vor.u32 v2, v11  }
0x1aa: {  	v10 =	vld.idx.msk [tilespmem:v10+s9+$0x0], $0xffff;
	_ =	sdelay $0x1  }
0x1ab: {  	vm0 =	veq.s32 v8, $0x1;
	_ =	sdelay $0x2  }
0x1ac: {  	v8 =	vmov s20  }
0x1ad: {  	v11 =	vor.u32 v0, v6;
	v10 =	vsel vm1, v12, v10;
	v12 =	vadd.s32 v0, v7  }
0x1ae: {  	s0 =	simm.s32 $0xF;
	v6 =	vshll.u32 v8, $0x3;
	[tilespmem:v14+s30+$0x0] =	vst.idx.msk $0xffff, v10  }
0x1af: {  	v6 =	vand.u32 $0xC00, v6;
	v7 =	vand.u32 $0x7F, v8;
	_ =	swait.ge [sflag:s0], $0x800  }
.Ltmp0:
0x1b0: {  	v6 =	vor.u32 v6, v7;
	[sflag:s0] =	ssyncset.done $0x0;
	(pc) =	sbr.rel @p0 .LBB2_2-.Ltmp0, $4  }
0x1b1: {  	v6 =	vor.u32 v2, v6;
	[sflag:s0] =	ssyncadd.s32 $0xFFFFF800  }
0x1b2: {  	v7 =	vld.idx.msk [tilespmem:v11+s24+$0x0], $0xffff  }
0x1b3: {  	v8 =	vld.idx.msk [tilespmem:v12+s9+$0x0], $0xffff  }
0x1b4: {  	vm1 =	veq.s32 v5, $0x1  }
0x1b5: {  	_ =	sdelay $0x2  }
0x1b6: {  	v3 =	vor.u32 v0, v3;
	v5 =	vsel vm0, v7, v8  }
0x1b7: {  	v4 =	vadd.s32 v0, v4;
	s0 =	simm.s32 $0x10;
	[tilespmem:v9+s30+$0x0] =	vst.idx.msk $0xffff, v5  }
0x1b8: {  	_ =	swait.ge [sflag:s0], $0x800  }
0x1b9: {  	[sflag:s0] =	ssyncset.done $0x0  }
0x1ba: {  	[sflag:s0] =	ssyncadd.s32 $0xFFFFF800  }
0x1bb: {  	v3 =	vld.idx.msk [tilespmem:v3+s23+$0x0], $0xffff  }
0x1bc: {  	v4 =	vld.idx.msk [tilespmem:v4+s9+$0x0], $0xffff;
	_ =	sdelay $0x3  }
0x1bd: {  	s25 =	simm.s32 $0x1000  }
0x1be: {  	s2 =	simm.s32 $0x20000;
	s20 =	simm.s32 $0x11;
	s21 =	simm.s32 $0x2200;
	v3 =	vsel vm1, v3, v4  }
0x1bf: {  	s22 =	simm.s32 $0x2A00;
	s13 =	simm.s32 $0x3200;
	s18 =	rddreg [dreg:$0x7];
	[tilespmem:v6+s30+$0x0] =	vst.idx.msk $0xffff, v3  }
0x1c0: {  	[hbm4b:s18+s25] =	stream.strided.scatter [tilespmem:s30], [sflag:$0x11], $0x2000, s2, s25, $0x38;
	[tilespmem:$0xAA00] =	vst v63  }
0x1c1: {  	s24 =	simm.s32 $0x3A00;
	s4 =	simm.s32 $0x6200;
	_ =	swait.ge [sflag:s20], $0x2000  }
0x1c2: {  	s5 =	simm.s32 $0x6A00;
	s6 =	simm.s32 $0x7200;
	s19 =	rddreg [dreg:$0x9]  }
0x1c3: {  	s7 =	simm.s32 $0x7A00;
	s26 =	rddreg [dreg:$0x8];
	s19 =	sadd.s32 $0x1, s19  }
0x1c4: {  	s3 =	simm.s32 $0x8200;
	s8 =	simm.s32 $0x8A00;
	p0 =	sne.s32 s19, s26  }
.Ltmp1:
0x1c5: {  	s12 =	simm.s32 $0x9200;
	s14 =	simm.s32 $0x1;
	(pc) =	sbr.rel @p0 .LBB2_1-.Ltmp1, $4  }
0x1c6: {  	s15 =	simm.s32 $0x2;
	s16 =	simm.s32 $0x3;
	s17 =	simm.s32 $0x4  }
0x1c7: {  	s28 =	simm.s32 $0x5;
	s29 =	simm.s32 $0x6;
	s31 =	simm.s32 $0x7  }
0x1c8: {  	s0 =	simm.s32 $0x5200;
	s25 =	simm.s32 $0x4200;
	[sflag:s20] =	ssyncset.done $0x0  }
0x1c9: {  	s2 =	simm.s32 $0x5A00;
	[sflag:s20] =	ssyncadd.s32 $0xFFFFE000;
	s26 =	simm.s32 $0x4A00  }
0x1ca: {  	_ =	sfence.sel $0x180000  }
0x1cb: {  	[bflag:$0x0] =	sbarrier.arrive $0xFFFF  }
0x1cc: {  	_ =	strace $0x90000047  }
0x1cd: {  	s0 =	stileid.u32;
	[bflag:$0x2] =	sbarrier.arrive $0xFFFF  }
0x1ce: {  	p0 =	sne.s32 s0, $0x0;
	s0 =	rddreg [dreg:$0x4]  }
0x1cf: {  	s0 =	sadd.s32 @!p0 $0x100000, s0  }
0x1d0: {  	[sflag:s0] =	ssyncadd.tile.s32 @!p0 $0x1;
	_ =	shalt  }
.Lfunc_end2:
_tile_overlayer_lowered:
.L_overlay_start_2:
0x1d1: {  	(tag) =	ssettag $0x2  }
0x1d2: {  	s0 =	rddreg [dreg:$0x0];
	s2 =	stileid.u32  }
0x1d3: {  	s1 =	rddreg [dreg:$0x1];
	p0 =	sne.s32 s2, $0x0  }
0x1d4: {  	s3 =	rddreg [dreg:$0x2];
	[bflag:$0x3] =	sbarrier.arrive $0xFFFF;
	s2 =	simm.s32 @!p0 $0x1C11  }
0x1d5: {  	[timem:s3], [sflag:s2] =	dma.local @!p0 [hbm:s0], s1  }
0x1d6: {  	s0 =	simm.s32 @!p0 $0x11  }
0x1d7: {  	_ =	swait.ge @!p0 [sflag:s0], s1  }
0x1d8: {  	s1 =	ssub.s32 @!p0 $0x0, s1;
	[sflag:s0] =	ssyncset.done @!p0 $0x0  }
0x1d9: {  	[sflag:s0] =	ssyncadd.s32 @!p0 s1  }
0x1da: {  	[bflag:$0x3] =	sbarrier.arrive $0xFFFF  }
0x1db: {  	_ =	shalt  }

</sc_bundles>
